<compile_context>
chip_gen: v7x
topology: tpu7x:2x2x1
jax: 0.10.2.dev20260603
libtpu: 0.0.44.dev20260713+nightly
codegen_flags: <defaults>
</compile_context>

<pallas_src>
import functools

import jax
import jax.numpy as jnp
from jax import lax
from jax.experimental import pallas as pl
from jax.experimental.pallas import tpu as pltpu
from jax.experimental.pallas import tpu_sc as plsc

_N = 10000
_D = 128
_H = 64
_C = 16
_E = 320000

_NCORE = 2
_NSUB = 16
_SUB = 128
_NBJ = 80
_EPAD = _NCORE * _NSUB * _NBJ * _SUB
_NPAD = 10240
_RPS = _NPAD // _NSUB
_ZR = 128

_BMP = 2048
_BM = 2000

_SC_PARAMS = pltpu.CompilerParams(use_tc_tiling_on_sc=False)


def _make_agg(feat, with_deg, dt=jnp.float32):
  part_t = jax.ShapeDtypeStruct((_NCORE, _NPAD, feat), dt)
  lanes = 16 if dt == jnp.float32 else 32
  out_type = ([part_t, jax.ShapeDtypeStruct((_NCORE, 1, _NPAD), jnp.float32)]
              if with_deg else part_t)
  scratch = [
      pltpu.VMEM((_NBJ, _SUB), jnp.int32),
      pltpu.VMEM((_NBJ, _SUB), jnp.int32),
      pltpu.VMEM((_SUB, feat), dt),
      pltpu.VMEM((_SUB, feat), dt),
      pltpu.VMEM((_ZR, feat), dt),
      pltpu.SemaphoreType.DMA,
      pltpu.SemaphoreType.DMA,
      pltpu.VMEM_SHARED((_NPAD, feat), dt),
  ]
  if with_deg:
    scratch.append(pltpu.VMEM_SHARED((_NPAD,), jnp.float32))
    scratch.append(pltpu.VMEM((_SUB,), jnp.float32))
    scratch.append(pltpu.SemaphoreType.DMA)

  def body(y_hbm, src_hbm, dst_hbm, *rest):
    if with_deg:
      (part_out, deg_out, src_v, dst_v, rows0, rows1, zrow_v, sem0, sem1,
       acc_sh, deg_sh, ones_v, dsem) = rest
    else:
      (part_out, src_v, dst_v, rows0, rows1, zrow_v, sem0, sem1,
       acc_sh) = rest
    c = lax.axis_index("c")
    s = lax.axis_index("s")
    sl = pl.ds(s * _RPS, _RPS)

    def zfill(r, carry):
      for k in range(feat // lanes):
        zrow_v[r, pl.ds(k * lanes, lanes)] = jnp.zeros((lanes,), dt)
      return carry

    lax.fori_loop(0, _ZR, zfill, 0)
    for m in range(_RPS // _ZR):
      pltpu.sync_copy(zrow_v, acc_sh.at[pl.ds(s * _RPS + m * _ZR, _ZR)])
    if with_deg:
      for i in range(_SUB // 16):
        ones_v[pl.ds(i * 16, 16)] = jnp.zeros((16,), jnp.float32)
      for m in range(_RPS // _SUB):
        pltpu.sync_copy(ones_v, deg_sh.at[pl.ds(s * _RPS + m * _SUB, _SUB)])
      for i in range(_SUB // 16):
        ones_v[pl.ds(i * 16, 16)] = jnp.ones((16,), jnp.float32)
    pltpu.sync_copy(src_hbm.at[c, s], src_v)
    pltpu.sync_copy(dst_hbm.at[c, s], dst_v)
    plsc.subcore_barrier()

    pltpu.async_copy(y_hbm.at[src_v.at[0]], rows0, sem0)
    pltpu.async_copy(y_hbm.at[src_v.at[1]], rows1, sem1)

    def outer(jj, carry):
      for b, (rows, sem) in enumerate(((rows0, sem0), (rows1, sem1))):
        j = jj * 2 + b
        pltpu.make_async_copy(y_hbm.at[src_v.at[j]], rows, sem).wait()
        pltpu.sync_copy(rows, acc_sh.at[dst_v.at[j]], add=True)
        if with_deg:
          pltpu.async_copy(ones_v, deg_sh.at[dst_v.at[j]], dsem, add=True)

        @pl.when(j + 2 < _NBJ)
        def _():
          pltpu.async_copy(y_hbm.at[src_v.at[j + 2]], rows, sem)
      return carry

    lax.fori_loop(0, _NBJ // 2, outer, 0)
    if with_deg:
      def drain(j, carry):
        pltpu.make_async_copy(ones_v, deg_sh.at[dst_v.at[j]], dsem).wait()
        return carry
      lax.fori_loop(0, _NBJ, drain, 0)
    plsc.subcore_barrier()
    pltpu.sync_copy(acc_sh.at[sl], part_out.at[c, sl])
    if with_deg:
      pltpu.sync_copy(deg_sh.at[sl], deg_out.at[c, 0, sl])

  return functools.partial(
      pl.kernel, out_type=out_type,
      mesh=plsc.VectorSubcoreMesh(core_axis_name="c", subcore_axis_name="s"),
      scratch_types=scratch, compiler_params=_SC_PARAMS)(body)


_agg_h = _make_agg(_H, True, jnp.bfloat16)
_agg_c = _make_agg(_C, False)


def _mm1_body(x_ref, w_ref, o_ref, ob_ref):
  y = jnp.dot(x_ref[...], w_ref[...], preferred_element_type=jnp.float32)
  o_ref[...] = y
  ob_ref[...] = y.astype(jnp.bfloat16)


_mm1 = pl.pallas_call(
    _mm1_body,
    grid=(_NPAD // _BMP,),
    in_specs=[pl.BlockSpec((_BMP, _D), lambda i: (i, 0)),
              pl.BlockSpec((_D, _H), lambda i: (0, 0))],
    out_specs=[pl.BlockSpec((_BMP, _H), lambda i: (i, 0)),
               pl.BlockSpec((_BMP, _H), lambda i: (i, 0))],
    out_shape=[jax.ShapeDtypeStruct((_NPAD, _H), jnp.float32),
               jax.ShapeDtypeStruct((_NPAD, _H), jnp.bfloat16)],
)


def _mid_body(y_ref, p0_ref, p1_ref, dg0_ref, dg1_ref, b1_ref, w2_ref,
              t_ref, dinv_ref):
  deg = jnp.transpose(dg0_ref[0] + dg1_ref[0])
  dinv = jnp.where(deg > 0.0, 1.0 / jnp.maximum(deg, 1.0), 0.0)
  aggv = (p0_ref[0].astype(jnp.float32)
          + p1_ref[0].astype(jnp.float32)) * dinv
  h = jnp.maximum(0.5 * y_ref[...] + 0.5 * aggv + b1_ref[...], 0.0)
  t_ref[...] = jnp.dot(h, w2_ref[...], preferred_element_type=jnp.float32)
  dinv_ref[...] = jnp.broadcast_to(dinv, (_BMP, _C))


_mid = pl.pallas_call(
    _mid_body,
    grid=(_NPAD // _BMP,),
    in_specs=[pl.BlockSpec((_BMP, _H), lambda i: (i, 0)),
              pl.BlockSpec((1, _BMP, _H), lambda i: (0, i, 0)),
              pl.BlockSpec((1, _BMP, _H), lambda i: (1, i, 0)),
              pl.BlockSpec((1, 1, _BMP), lambda i: (0, 0, i)),
              pl.BlockSpec((1, 1, _BMP), lambda i: (1, 0, i)),
              pl.BlockSpec((1, _H), lambda i: (0, 0)),
              pl.BlockSpec((_H, _C), lambda i: (0, 0))],
    out_specs=[pl.BlockSpec((_BMP, _C), lambda i: (i, 0)),
               pl.BlockSpec((_BMP, _C), lambda i: (i, 0))],
    out_shape=[jax.ShapeDtypeStruct((_NPAD, _C), jnp.float32),
               jax.ShapeDtypeStruct((_NPAD, _C), jnp.float32)],
)


def _fin_body(t_ref, q0_ref, q1_ref, dinv_ref, b2_ref, o_ref):
  aggv = (q0_ref[0] + q1_ref[0]) * dinv_ref[...]
  o_ref[...] = 0.5 * t_ref[...] + 0.5 * aggv + b2_ref[...]


_fin = pl.pallas_call(
    _fin_body,
    grid=(_N // _BM,),
    in_specs=[pl.BlockSpec((_BM, _C), lambda i: (i, 0)),
              pl.BlockSpec((1, _BM, _C), lambda i: (0, i, 0)),
              pl.BlockSpec((1, _BM, _C), lambda i: (1, i, 0)),
              pl.BlockSpec((_BM, _C), lambda i: (i, 0)),
              pl.BlockSpec((1, _C), lambda i: (0, 0))],
    out_specs=pl.BlockSpec((_BM, _C), lambda i: (i, 0)),
    out_shape=jax.ShapeDtypeStruct((_N, _C), jnp.float32),
)


def _pad_edges(idx, fill):
  return jnp.concatenate(
      [idx, jnp.full((_EPAD - _E,), fill, jnp.int32)]).reshape(
          _NCORE, _NSUB, _NBJ, _SUB)


def kernel(x, edge_index, W1, b1, W2, b2):
  src = edge_index[0]
  dst = edge_index[1]
  src_p = _pad_edges(src, 0)
  dst_p = _pad_edges(dst, _NPAD - 1)
  x_p = jnp.concatenate([x, jnp.zeros((_NPAD - _N, _D), jnp.float32)])

  y, ybf = _mm1(x_p, W1)
  part1, degp = _agg_h(ybf, src_p, dst_p)
  t, dinvb = _mid(y, part1, part1, degp, degp, b1.reshape(1, _H), W2)
  part2 = _agg_c(t, src_p, dst_p)
  logits = _fin(t, part2, part2, dinvb, b2.reshape(1, _C))
  return logits

# --- scband reference (transcript-rebuilt; emitter-appended) ---
"""Pipeline reference for scband-sc-hetero-net-80281528696837 (READ-ONLY COPY).

The authoritative reference and input builder live on the scoring server;
editing this copy changes nothing except your own understanding.
"""

import jax, jax.numpy as jnp
import numpy as np

N = 10000
E = 320000
D = 128
H = 64
C = 16


def setup_inputs(seed: int = 0) -> dict:
    key = jax.random.key(seed)
    k1, k2, k3, k4 = jax.random.split(key, 4)
    x = jax.random.normal(k1, (N, D), dtype=jnp.float32)
    edge_index = jax.random.randint(k2, (2, E), 0, N, dtype=jnp.int32)
    W1 = jax.random.normal(k3, (D, H), dtype=jnp.float32) * (1.0 / np.sqrt(D))
    b1 = jnp.zeros((H,), dtype=jnp.float32)
    W2 = jax.random.normal(k4, (H, C), dtype=jnp.float32) * (1.0 / np.sqrt(H))
    b2 = jnp.zeros((C,), dtype=jnp.float32)
    return {"x": x, "edge_index": edge_index, "W1": W1, "b1": b1, "W2": W2, "b2": b2}


def reference(x, edge_index, W1, b1, W2, b2):
    # HeteroNet-style encoder: degree-normalized neighbor aggregation
    # (propagation with alpha residual mixing) interleaved with dense layers.
    src = edge_index[0]
    dst = edge_index[1]
    ones = jnp.ones((E,), dtype=jnp.float32)
    deg = jax.ops.segment_sum(ones, dst, num_segments=N)
    deg_inv = jnp.where(deg > 0, 1.0 / jnp.clip(deg, 1.0), 0.0)

    def agg(h):
        gathered = jnp.take(h, src, axis=0)              # gather over edges
        summed = jax.ops.segment_sum(gathered, dst, num_segments=N)  # scatter-add
        return summed * deg_inv[:, None]

    alpha = 0.5
    # layer 1: propagate raw features then transform
    h = alpha * x + (1.0 - alpha) * agg(x)
    h = jax.nn.relu(h @ W1 + b1)
    # layer 2: propagate hidden features then project to class logits
    h = alpha * h + (1.0 - alpha) * agg(h)
    logits = h @ W2 + b2
    return logits

if __name__ == "__main__":
    import jax
    _d = setup_inputs()
    print(jax.jit(kernel)(*tuple(_d.values())))

</pallas_src>

<mosaic_0001>
#map = affine_map<(d0, d1) -> (0, 0)>
#map1 = affine_map<(d0, d1) -> (0, 0, 0, 0)>
#map2 = affine_map<(d0, d1) -> (0, 0, 0)>
module attributes {stable_mosaic.version = 14 : i64} {
  func.func @body(%arg0: i32, %arg1: i32, %arg2: memref<10240x64xbf16, #tpu.memory_space<hbm>>, %arg3: memref<2x16x80x128xi32, #tpu.memory_space<hbm>>, %arg4: memref<2x16x80x128xi32, #tpu.memory_space<hbm>>, %arg5: memref<2x10240x64xbf16, #tpu.memory_space<hbm>>, %arg6: memref<2x1x10240xf32, #tpu.memory_space<hbm>>, %arg7: memref<80x128xi32, #tpu.memory_space<vmem>>, %arg8: memref<80x128xi32, #tpu.memory_space<vmem>>, %arg9: memref<128x64xbf16, #tpu.memory_space<vmem>>, %arg10: memref<128x64xbf16, #tpu.memory_space<vmem>>, %arg11: memref<128x64xbf16, #tpu.memory_space<vmem>>, %arg12: memref<!tpu.dma_semaphore, #tpu.memory_space<semaphore_mem>>, %arg13: memref<!tpu.dma_semaphore, #tpu.memory_space<semaphore_mem>>, %arg14: memref<10240x64xbf16, #tpu.memory_space<vmem_shared>>, %arg15: memref<10240xf32, #tpu.memory_space<vmem_shared>>, %arg16: memref<128xf32, #tpu.memory_space<vmem>>, %arg17: memref<!tpu.dma_semaphore, #tpu.memory_space<semaphore_mem>>) attributes {dimension_semantics = [#tpu.dimension_semantics<core_parallel>, #tpu.dimension_semantics<subcore_parallel>], iteration_bounds = array<i64: 2, 16>, scalar_prefetch = 0 : i64, scratch_operands = 11 : i64, tpu.core_type = #tpu.core_type<sc_vector_subcore>, window_params = [{transform_indices = #map}, {transform_indices = #map1}, {transform_indices = #map1}, {transform_indices = #map2}, {transform_indices = #map2}]} {
    %mul3A = arith.constant 640 : i32
    %mul3A_0 = arith.muli %arg1, %mul3A : i32
    %scan3A = arith.constant 0 : i32
    %scan3A_1 = arith.constant 0 : i32
    %scan3A_2 = arith.constant 128 : i32
    %scan3A_3 = arith.addi %scan3A_1, %scan3A_2 : i32
    %scan3A_4 = arith.constant 1 : i32
    scf.for %scan3A_165 = %scan3A_1 to %scan3A_3 step %scan3A_4  : i32 {
      %broadcast_in_dim3A_166 = arith.constant 0.000000e+00 : bf16
      %broadcast_in_dim3A_167 = vector.broadcast %broadcast_in_dim3A_166 : bf16 to vector<32xbf16>
      %swap3A_168 = arith.index_cast %scan3A_165 : i32 to index
      %swap3A_169 = arith.constant 0 : index
      %swap3A_170 = tpu.vector_load %arg11[%swap3A_168, %swap3A_169] {strides = array<i32>} : memref<128x64xbf16, #tpu.memory_space<vmem>>, vector<1x32xbf16>,
      %swap3A_171 = vector.shape_cast %swap3A_170 : vector<1x32xbf16> to vector<32xbf16>
      %swap3A_172 = vector.shape_cast %broadcast_in_dim3A_167 : vector<32xbf16> to vector<1x32xbf16>
      tpu.vector_store %arg11[%swap3A_168, %swap3A_169], %swap3A_172 {strides = array<i32>} : memref<128x64xbf16, #tpu.memory_space<vmem>>, vector<1x32xbf16>,
      %broadcast_in_dim3A_173 = arith.constant 0.000000e+00 : bf16
      %broadcast_in_dim3A_174 = vector.broadcast %broadcast_in_dim3A_173 : bf16 to vector<32xbf16>
      %swap3A_175 = arith.index_cast %scan3A_165 : i32 to index
      %swap3A_176 = arith.constant 32 : index
      %swap3A_177 = tpu.vector_load %arg11[%swap3A_175, %swap3A_176] {strides = array<i32>} : memref<128x64xbf16, #tpu.memory_space<vmem>>, vector<1x32xbf16>,
      %swap3A_178 = vector.shape_cast %swap3A_177 : vector<1x32xbf16> to vector<32xbf16>
      %swap3A_179 = vector.shape_cast %broadcast_in_dim3A_174 : vector<32xbf16> to vector<1x32xbf16>
      tpu.vector_store %arg11[%swap3A_175, %swap3A_176], %swap3A_179 {strides = array<i32>} : memref<128x64xbf16, #tpu.memory_space<vmem>>, vector<1x32xbf16>,
    }
    %scan3A_5 = arith.constant 128 : i32
    %mul3A_6 = arith.constant 640 : i32
    %mul3A_7 = arith.muli %arg1, %mul3A_6 : i32
    %add3A = arith.constant 0 : i32
    %add3A_8 = arith.addi %mul3A_7, %add3A : i32
    "tpu.region"() ({
      %run_scoped3A_165 = tpu.sem_alloc : memref<!tpu.dma_semaphore, #tpu.memory_space<semaphore_mem>>
      %dma_start3A_166 = arith.constant 0 : i32
      %dma_start3A_167 = tpu.memref_slice %arg14[%add3A_8, %dma_start3A_166] : memref<10240x64xbf16, #tpu.memory_space<vmem_shared>> -> memref<128x64xbf16, #tpu.memory_space<vmem_shared>>
      %dma_start3A_168 = arith.constant 0 : i32
      %dma_start3A_169 = tpu.memref_slice %arg14[%add3A_8, %dma_start3A_168] : memref<10240x64xbf16, #tpu.memory_space<vmem_shared>> -> memref<128x64xbf16, #tpu.memory_space<vmem_shared>>
      tpu.enqueue_dma source(%arg11 : memref<128x64xbf16, #tpu.memory_space<vmem>>) target(%dma_start3A_169 : memref<128x64xbf16, #tpu.memory_space<vmem_shared>>) target_semaphore(%run_scoped3A_165 : memref<!tpu.dma_semaphore, #tpu.memory_space<semaphore_mem>>)
      %dma_wait3A = arith.constant 0 : i32
      %dma_wait3A_170 = tpu.memref_slice %arg14[%add3A_8, %dma_wait3A] : memref<10240x64xbf16, #tpu.memory_space<vmem_shared>> -> memref<128x64xbf16, #tpu.memory_space<vmem_shared>>
      %dma_wait3A_171 = arith.constant 0 : i32
      %dma_wait3A_172 = tpu.memref_slice %arg14[%add3A_8, %dma_wait3A_171] : memref<10240x64xbf16, #tpu.memory_space<vmem_shared>> -> memref<128x64xbf16, #tpu.memory_space<vmem_shared>>
      tpu.wait_dma2 semaphore(%run_scoped3A_165 : memref<!tpu.dma_semaphore, #tpu.memory_space<semaphore_mem>>) src(%arg11 : memref<128x64xbf16, #tpu.memory_space<vmem>>) dst(%dma_wait3A_172 : memref<128x64xbf16, #tpu.memory_space<vmem_shared>>)
      tpu.yield
    }) : () -> ()
    %mul3A_9 = arith.constant 640 : i32
    %mul3A_10 = arith.muli %arg1, %mul3A_9 : i32
    %add3A_11 = arith.constant 128 : i32
    %add3A_12 = arith.addi %mul3A_10, %add3A_11 : i32
    "tpu.region"() ({
      %run_scoped3A_165 = tpu.sem_alloc : memref<!tpu.dma_semaphore, #tpu.memory_space<semaphore_mem>>
      %dma_start3A_166 = arith.constant 0 : i32
      %dma_start3A_167 = tpu.memref_slice %arg14[%add3A_12, %dma_start3A_166] : memref<10240x64xbf16, #tpu.memory_space<vmem_shared>> -> memref<128x64xbf16, #tpu.memory_space<vmem_shared>>
      %dma_start3A_168 = arith.constant 0 : i32
      %dma_start3A_169 = tpu.memref_slice %arg14[%add3A_12, %dma_start3A_168] : memref<10240x64xbf16, #tpu.memory_space<vmem_shared>> -> memref<128x64xbf16, #tpu.memory_space<vmem_shared>>
      tpu.enqueue_dma source(%arg11 : memref<128x64xbf16, #tpu.memory_space<vmem>>) target(%dma_start3A_169 : memref<128x64xbf16, #tpu.memory_space<vmem_shared>>) target_semaphore(%run_scoped3A_165 : memref<!tpu.dma_semaphore, #tpu.memory_space<semaphore_mem>>)
      %dma_wait3A = arith.constant 0 : i32
      %dma_wait3A_170 = tpu.memref_slice %arg14[%add3A_12, %dma_wait3A] : memref<10240x64xbf16, #tpu.memory_space<vmem_shared>> -> memref<128x64xbf16, #tpu.memory_space<vmem_shared>>
      %dma_wait3A_171 = arith.constant 0 : i32
      %dma_wait3A_172 = tpu.memref_slice %arg14[%add3A_12, %dma_wait3A_171] : memref<10240x64xbf16, #tpu.memory_space<vmem_shared>> -> memref<128x64xbf16, #tpu.memory_space<vmem_shared>>
      tpu.wait_dma2 semaphore(%run_scoped3A_165 : memref<!tpu.dma_semaphore, #tpu.memory_space<semaphore_mem>>) src(%arg11 : memref<128x64xbf16, #tpu.memory_space<vmem>>) dst(%dma_wait3A_172 : memref<128x64xbf16, #tpu.memory_space<vmem_shared>>)
      tpu.yield
    }) : () -> ()
    %mul3A_13 = arith.constant 640 : i32
    %mul3A_14 = arith.muli %arg1, %mul3A_13 : i32
    %add3A_15 = arith.constant 256 : i32
    %add3A_16 = arith.addi %mul3A_14, %add3A_15 : i32
    "tpu.region"() ({
      %run_scoped3A_165 = tpu.sem_alloc : memref<!tpu.dma_semaphore, #tpu.memory_space<semaphore_mem>>
      %dma_start3A_166 = arith.constant 0 : i32
      %dma_start3A_167 = tpu.memref_slice %arg14[%add3A_16, %dma_start3A_166] : memref<10240x64xbf16, #tpu.memory_space<vmem_shared>> -> memref<128x64xbf16, #tpu.memory_space<vmem_shared>>
      %dma_start3A_168 = arith.constant 0 : i32
      %dma_start3A_169 = tpu.memref_slice %arg14[%add3A_16, %dma_start3A_168] : memref<10240x64xbf16, #tpu.memory_space<vmem_shared>> -> memref<128x64xbf16, #tpu.memory_space<vmem_shared>>
      tpu.enqueue_dma source(%arg11 : memref<128x64xbf16, #tpu.memory_space<vmem>>) target(%dma_start3A_169 : memref<128x64xbf16, #tpu.memory_space<vmem_shared>>) target_semaphore(%run_scoped3A_165 : memref<!tpu.dma_semaphore, #tpu.memory_space<semaphore_mem>>)
      %dma_wait3A = arith.constant 0 : i32
      %dma_wait3A_170 = tpu.memref_slice %arg14[%add3A_16, %dma_wait3A] : memref<10240x64xbf16, #tpu.memory_space<vmem_shared>> -> memref<128x64xbf16, #tpu.memory_space<vmem_shared>>
      %dma_wait3A_171 = arith.constant 0 : i32
      %dma_wait3A_172 = tpu.memref_slice %arg14[%add3A_16, %dma_wait3A_171] : memref<10240x64xbf16, #tpu.memory_space<vmem_shared>> -> memref<128x64xbf16, #tpu.memory_space<vmem_shared>>
      tpu.wait_dma2 semaphore(%run_scoped3A_165 : memref<!tpu.dma_semaphore, #tpu.memory_space<semaphore_mem>>) src(%arg11 : memref<128x64xbf16, #tpu.memory_space<vmem>>) dst(%dma_wait3A_172 : memref<128x64xbf16, #tpu.memory_space<vmem_shared>>)
      tpu.yield
    }) : () -> ()
    %mul3A_17 = arith.constant 640 : i32
    %mul3A_18 = arith.muli %arg1, %mul3A_17 : i32
    %add3A_19 = arith.constant 384 : i32
    %add3A_20 = arith.addi %mul3A_18, %add3A_19 : i32
    "tpu.region"() ({
      %run_scoped3A_165 = tpu.sem_alloc : memref<!tpu.dma_semaphore, #tpu.memory_space<semaphore_mem>>
      %dma_start3A_166 = arith.constant 0 : i32
      %dma_start3A_167 = tpu.memref_slice %arg14[%add3A_20, %dma_start3A_166] : memref<10240x64xbf16, #tpu.memory_space<vmem_shared>> -> memref<128x64xbf16, #tpu.memory_space<vmem_shared>>
      %dma_start3A_168 = arith.constant 0 : i32
      %dma_start3A_169 = tpu.memref_slice %arg14[%add3A_20, %dma_start3A_168] : memref<10240x64xbf16, #tpu.memory_space<vmem_shared>> -> memref<128x64xbf16, #tpu.memory_space<vmem_shared>>
      tpu.enqueue_dma source(%arg11 : memref<128x64xbf16, #tpu.memory_space<vmem>>) target(%dma_start3A_169 : memref<128x64xbf16, #tpu.memory_space<vmem_shared>>) target_semaphore(%run_scoped3A_165 : memref<!tpu.dma_semaphore, #tpu.memory_space<semaphore_mem>>)
      %dma_wait3A = arith.constant 0 : i32
      %dma_wait3A_170 = tpu.memref_slice %arg14[%add3A_20, %dma_wait3A] : memref<10240x64xbf16, #tpu.memory_space<vmem_shared>> -> memref<128x64xbf16, #tpu.memory_space<vmem_shared>>
      %dma_wait3A_171 = arith.constant 0 : i32
      %dma_wait3A_172 = tpu.memref_slice %arg14[%add3A_20, %dma_wait3A_171] : memref<10240x64xbf16, #tpu.memory_space<vmem_shared>> -> memref<128x64xbf16, #tpu.memory_space<vmem_shared>>
      tpu.wait_dma2 semaphore(%run_scoped3A_165 : memref<!tpu.dma_semaphore, #tpu.memory_space<semaphore_mem>>) src(%arg11 : memref<128x64xbf16, #tpu.memory_space<vmem>>) dst(%dma_wait3A_172 : memref<128x64xbf16, #tpu.memory_space<vmem_shared>>)
      tpu.yield
    }) : () -> ()
    %mul3A_21 = arith.constant 640 : i32
    %mul3A_22 = arith.muli %arg1, %mul3A_21 : i32
    %add3A_23 = arith.constant 512 : i32
    %add3A_24 = arith.addi %mul3A_22, %add3A_23 : i32
    "tpu.region"() ({
      %run_scoped3A_165 = tpu.sem_alloc : memref<!tpu.dma_semaphore, #tpu.memory_space<semaphore_mem>>
      %dma_start3A_166 = arith.constant 0 : i32
      %dma_start3A_167 = tpu.memref_slice %arg14[%add3A_24, %dma_start3A_166] : memref<10240x64xbf16, #tpu.memory_space<vmem_shared>> -> memref<128x64xbf16, #tpu.memory_space<vmem_shared>>
      %dma_start3A_168 = arith.constant 0 : i32
      %dma_start3A_169 = tpu.memref_slice %arg14[%add3A_24, %dma_start3A_168] : memref<10240x64xbf16, #tpu.memory_space<vmem_shared>> -> memref<128x64xbf16, #tpu.memory_space<vmem_shared>>
      tpu.enqueue_dma source(%arg11 : memref<128x64xbf16, #tpu.memory_space<vmem>>) target(%dma_start3A_169 : memref<128x64xbf16, #tpu.memory_space<vmem_shared>>) target_semaphore(%run_scoped3A_165 : memref<!tpu.dma_semaphore, #tpu.memory_space<semaphore_mem>>)
      %dma_wait3A = arith.constant 0 : i32
      %dma_wait3A_170 = tpu.memref_slice %arg14[%add3A_24, %dma_wait3A] : memref<10240x64xbf16, #tpu.memory_space<vmem_shared>> -> memref<128x64xbf16, #tpu.memory_space<vmem_shared>>
      %dma_wait3A_171 = arith.constant 0 : i32
      %dma_wait3A_172 = tpu.memref_slice %arg14[%add3A_24, %dma_wait3A_171] : memref<10240x64xbf16, #tpu.memory_space<vmem_shared>> -> memref<128x64xbf16, #tpu.memory_space<vmem_shared>>
      tpu.wait_dma2 semaphore(%run_scoped3A_165 : memref<!tpu.dma_semaphore, #tpu.memory_space<semaphore_mem>>) src(%arg11 : memref<128x64xbf16, #tpu.memory_space<vmem>>) dst(%dma_wait3A_172 : memref<128x64xbf16, #tpu.memory_space<vmem_shared>>)
      tpu.yield
    }) : () -> ()
    %broadcast_in_dim3A = arith.constant 0.000000e+00 : f32
    %broadcast_in_dim3A_25 = vector.broadcast %broadcast_in_dim3A : f32 to vector<16xf32>
    %swap3A = arith.constant 0 : index
    %swap3A_26 = tpu.vector_load %arg16[%swap3A] {strides = array<i32>} : memref<128xf32, #tpu.memory_space<vmem>>, vector<16xf32>,
    %swap3A_27 = vector.shape_cast %swap3A_26 : vector<16xf32> to vector<16xf32>
    %swap3A_28 = vector.shape_cast %broadcast_in_dim3A_25 : vector<16xf32> to vector<16xf32>
    tpu.vector_store %arg16[%swap3A], %swap3A_28 {strides = array<i32>} : memref<128xf32, #tpu.memory_space<vmem>>, vector<16xf32>,
    %broadcast_in_dim3A_29 = arith.constant 0.000000e+00 : f32
    %broadcast_in_dim3A_30 = vector.broadcast %broadcast_in_dim3A_29 : f32 to vector<16xf32>
    %swap3A_31 = arith.constant 16 : index
    %swap3A_32 = tpu.vector_load %arg16[%swap3A_31] {strides = array<i32>} : memref<128xf32, #tpu.memory_space<vmem>>, vector<16xf32>,
    %swap3A_33 = vector.shape_cast %swap3A_32 : vector<16xf32> to vector<16xf32>
    %swap3A_34 = vector.shape_cast %broadcast_in_dim3A_30 : vector<16xf32> to vector<16xf32>
    tpu.vector_store %arg16[%swap3A_31], %swap3A_34 {strides = array<i32>} : memref<128xf32, #tpu.memory_space<vmem>>, vector<16xf32>,
    %broadcast_in_dim3A_35 = arith.constant 0.000000e+00 : f32
    %broadcast_in_dim3A_36 = vector.broadcast %broadcast_in_dim3A_35 : f32 to vector<16xf32>
    %swap3A_37 = arith.constant 32 : index
    %swap3A_38 = tpu.vector_load %arg16[%swap3A_37] {strides = array<i32>} : memref<128xf32, #tpu.memory_space<vmem>>, vector<16xf32>,
    %swap3A_39 = vector.shape_cast %swap3A_38 : vector<16xf32> to vector<16xf32>
    %swap3A_40 = vector.shape_cast %broadcast_in_dim3A_36 : vector<16xf32> to vector<16xf32>
    tpu.vector_store %arg16[%swap3A_37], %swap3A_40 {strides = array<i32>} : memref<128xf32, #tpu.memory_space<vmem>>, vector<16xf32>,
    %broadcast_in_dim3A_41 = arith.constant 0.000000e+00 : f32
    %broadcast_in_dim3A_42 = vector.broadcast %broadcast_in_dim3A_41 : f32 to vector<16xf32>
    %swap3A_43 = arith.constant 48 : index
    %swap3A_44 = tpu.vector_load %arg16[%swap3A_43] {strides = array<i32>} : memref<128xf32, #tpu.memory_space<vmem>>, vector<16xf32>,
    %swap3A_45 = vector.shape_cast %swap3A_44 : vector<16xf32> to vector<16xf32>
    %swap3A_46 = vector.shape_cast %broadcast_in_dim3A_42 : vector<16xf32> to vector<16xf32>
    tpu.vector_store %arg16[%swap3A_43], %swap3A_46 {strides = array<i32>} : memref<128xf32, #tpu.memory_space<vmem>>, vector<16xf32>,
    %broadcast_in_dim3A_47 = arith.constant 0.000000e+00 : f32
    %broadcast_in_dim3A_48 = vector.broadcast %broadcast_in_dim3A_47 : f32 to vector<16xf32>
    %swap3A_49 = arith.constant 64 : index
    %swap3A_50 = tpu.vector_load %arg16[%swap3A_49] {strides = array<i32>} : memref<128xf32, #tpu.memory_space<vmem>>, vector<16xf32>,
    %swap3A_51 = vector.shape_cast %swap3A_50 : vector<16xf32> to vector<16xf32>
    %swap3A_52 = vector.shape_cast %broadcast_in_dim3A_48 : vector<16xf32> to vector<16xf32>
    tpu.vector_store %arg16[%swap3A_49], %swap3A_52 {strides = array<i32>} : memref<128xf32, #tpu.memory_space<vmem>>, vector<16xf32>,
    %broadcast_in_dim3A_53 = arith.constant 0.000000e+00 : f32
    %broadcast_in_dim3A_54 = vector.broadcast %broadcast_in_dim3A_53 : f32 to vector<16xf32>
    %swap3A_55 = arith.constant 80 : index
    %swap3A_56 = tpu.vector_load %arg16[%swap3A_55] {strides = array<i32>} : memref<128xf32, #tpu.memory_space<vmem>>, vector<16xf32>,
    %swap3A_57 = vector.shape_cast %swap3A_56 : vector<16xf32> to vector<16xf32>
    %swap3A_58 = vector.shape_cast %broadcast_in_dim3A_54 : vector<16xf32> to vector<16xf32>
    tpu.vector_store %arg16[%swap3A_55], %swap3A_58 {strides = array<i32>} : memref<128xf32, #tpu.memory_space<vmem>>, vector<16xf32>,
    %broadcast_in_dim3A_59 = arith.constant 0.000000e+00 : f32
    %broadcast_in_dim3A_60 = vector.broadcast %broadcast_in_dim3A_59 : f32 to vector<16xf32>
    %swap3A_61 = arith.constant 96 : index
    %swap3A_62 = tpu.vector_load %arg16[%swap3A_61] {strides = array<i32>} : memref<128xf32, #tpu.memory_space<vmem>>, vector<16xf32>,
    %swap3A_63 = vector.shape_cast %swap3A_62 : vector<16xf32> to vector<16xf32>
    %swap3A_64 = vector.shape_cast %broadcast_in_dim3A_60 : vector<16xf32> to vector<16xf32>
    tpu.vector_store %arg16[%swap3A_61], %swap3A_64 {strides = array<i32>} : memref<128xf32, #tpu.memory_space<vmem>>, vector<16xf32>,
    %broadcast_in_dim3A_65 = arith.constant 0.000000e+00 : f32
    %broadcast_in_dim3A_66 = vector.broadcast %broadcast_in_dim3A_65 : f32 to vector<16xf32>
    %swap3A_67 = arith.constant 112 : index
    %swap3A_68 = tpu.vector_load %arg16[%swap3A_67] {strides = array<i32>} : memref<128xf32, #tpu.memory_space<vmem>>, vector<16xf32>,
    %swap3A_69 = vector.shape_cast %swap3A_68 : vector<16xf32> to vector<16xf32>
    %swap3A_70 = vector.shape_cast %broadcast_in_dim3A_66 : vector<16xf32> to vector<16xf32>
    tpu.vector_store %arg16[%swap3A_67], %swap3A_70 {strides = array<i32>} : memref<128xf32, #tpu.memory_space<vmem>>, vector<16xf32>,
    %mul3A_71 = arith.constant 640 : i32
    %mul3A_72 = arith.muli %arg1, %mul3A_71 : i32
    %add3A_73 = arith.constant 0 : i32
    %add3A_74 = arith.addi %mul3A_72, %add3A_73 : i32
    "tpu.region"() ({
      %run_scoped3A_165 = tpu.sem_alloc : memref<!tpu.dma_semaphore, #tpu.memory_space<semaphore_mem>>
      %dma_start3A_166 = tpu.memref_slice %arg15[%add3A_74] : memref<10240xf32, #tpu.memory_space<vmem_shared>> -> memref<128xf32, #tpu.memory_space<vmem_shared>>
      %dma_start3A_167 = tpu.memref_slice %arg15[%add3A_74] : memref<10240xf32, #tpu.memory_space<vmem_shared>> -> memref<128xf32, #tpu.memory_space<vmem_shared>>
      tpu.enqueue_dma source(%arg16 : memref<128xf32, #tpu.memory_space<vmem>>) target(%dma_start3A_167 : memref<128xf32, #tpu.memory_space<vmem_shared>>) target_semaphore(%run_scoped3A_165 : memref<!tpu.dma_semaphore, #tpu.memory_space<semaphore_mem>>)
      %dma_wait3A = tpu.memref_slice %arg15[%add3A_74] : memref<10240xf32, #tpu.memory_space<vmem_shared>> -> memref<128xf32, #tpu.memory_space<vmem_shared>>
      %dma_wait3A_168 = tpu.memref_slice %arg15[%add3A_74] : memref<10240xf32, #tpu.memory_space<vmem_shared>> -> memref<128xf32, #tpu.memory_space<vmem_shared>>
      tpu.wait_dma2 semaphore(%run_scoped3A_165 : memref<!tpu.dma_semaphore, #tpu.memory_space<semaphore_mem>>) src(%arg16 : memref<128xf32, #tpu.memory_space<vmem>>) dst(%dma_wait3A_168 : memref<128xf32, #tpu.memory_space<vmem_shared>>)
      tpu.yield
    }) : () -> ()
    %mul3A_75 = arith.constant 640 : i32
    %mul3A_76 = arith.muli %arg1, %mul3A_75 : i32
    %add3A_77 = arith.constant 128 : i32
    %add3A_78 = arith.addi %mul3A_76, %add3A_77 : i32
    "tpu.region"() ({
      %run_scoped3A_165 = tpu.sem_alloc : memref<!tpu.dma_semaphore, #tpu.memory_space<semaphore_mem>>
      %dma_start3A_166 = tpu.memref_slice %arg15[%add3A_78] : memref<10240xf32, #tpu.memory_space<vmem_shared>> -> memref<128xf32, #tpu.memory_space<vmem_shared>>
      %dma_start3A_167 = tpu.memref_slice %arg15[%add3A_78] : memref<10240xf32, #tpu.memory_space<vmem_shared>> -> memref<128xf32, #tpu.memory_space<vmem_shared>>
      tpu.enqueue_dma source(%arg16 : memref<128xf32, #tpu.memory_space<vmem>>) target(%dma_start3A_167 : memref<128xf32, #tpu.memory_space<vmem_shared>>) target_semaphore(%run_scoped3A_165 : memref<!tpu.dma_semaphore, #tpu.memory_space<semaphore_mem>>)
      %dma_wait3A = tpu.memref_slice %arg15[%add3A_78] : memref<10240xf32, #tpu.memory_space<vmem_shared>> -> memref<128xf32, #tpu.memory_space<vmem_shared>>
      %dma_wait3A_168 = tpu.memref_slice %arg15[%add3A_78] : memref<10240xf32, #tpu.memory_space<vmem_shared>> -> memref<128xf32, #tpu.memory_space<vmem_shared>>
      tpu.wait_dma2 semaphore(%run_scoped3A_165 : memref<!tpu.dma_semaphore, #tpu.memory_space<semaphore_mem>>) src(%arg16 : memref<128xf32, #tpu.memory_space<vmem>>) dst(%dma_wait3A_168 : memref<128xf32, #tpu.memory_space<vmem_shared>>)
      tpu.yield
    }) : () -> ()
    %mul3A_79 = arith.constant 640 : i32
    %mul3A_80 = arith.muli %arg1, %mul3A_79 : i32
    %add3A_81 = arith.constant 256 : i32
    %add3A_82 = arith.addi %mul3A_80, %add3A_81 : i32
    "tpu.region"() ({
      %run_scoped3A_165 = tpu.sem_alloc : memref<!tpu.dma_semaphore, #tpu.memory_space<semaphore_mem>>
      %dma_start3A_166 = tpu.memref_slice %arg15[%add3A_82] : memref<10240xf32, #tpu.memory_space<vmem_shared>> -> memref<128xf32, #tpu.memory_space<vmem_shared>>
      %dma_start3A_167 = tpu.memref_slice %arg15[%add3A_82] : memref<10240xf32, #tpu.memory_space<vmem_shared>> -> memref<128xf32, #tpu.memory_space<vmem_shared>>
      tpu.enqueue_dma source(%arg16 : memref<128xf32, #tpu.memory_space<vmem>>) target(%dma_start3A_167 : memref<128xf32, #tpu.memory_space<vmem_shared>>) target_semaphore(%run_scoped3A_165 : memref<!tpu.dma_semaphore, #tpu.memory_space<semaphore_mem>>)
      %dma_wait3A = tpu.memref_slice %arg15[%add3A_82] : memref<10240xf32, #tpu.memory_space<vmem_shared>> -> memref<128xf32, #tpu.memory_space<vmem_shared>>
      %dma_wait3A_168 = tpu.memref_slice %arg15[%add3A_82] : memref<10240xf32, #tpu.memory_space<vmem_shared>> -> memref<128xf32, #tpu.memory_space<vmem_shared>>
      tpu.wait_dma2 semaphore(%run_scoped3A_165 : memref<!tpu.dma_semaphore, #tpu.memory_space<semaphore_mem>>) src(%arg16 : memref<128xf32, #tpu.memory_space<vmem>>) dst(%dma_wait3A_168 : memref<128xf32, #tpu.memory_space<vmem_shared>>)
      tpu.yield
    }) : () -> ()
    %mul3A_83 = arith.constant 640 : i32
    %mul3A_84 = arith.muli %arg1, %mul3A_83 : i32
    %add3A_85 = arith.constant 384 : i32
    %add3A_86 = arith.addi %mul3A_84, %add3A_85 : i32
    "tpu.region"() ({
      %run_scoped3A_165 = tpu.sem_alloc : memref<!tpu.dma_semaphore, #tpu.memory_space<semaphore_mem>>
      %dma_start3A_166 = tpu.memref_slice %arg15[%add3A_86] : memref<10240xf32, #tpu.memory_space<vmem_shared>> -> memref<128xf32, #tpu.memory_space<vmem_shared>>
      %dma_start3A_167 = tpu.memref_slice %arg15[%add3A_86] : memref<10240xf32, #tpu.memory_space<vmem_shared>> -> memref<128xf32, #tpu.memory_space<vmem_shared>>
      tpu.enqueue_dma source(%arg16 : memref<128xf32, #tpu.memory_space<vmem>>) target(%dma_start3A_167 : memref<128xf32, #tpu.memory_space<vmem_shared>>) target_semaphore(%run_scoped3A_165 : memref<!tpu.dma_semaphore, #tpu.memory_space<semaphore_mem>>)
      %dma_wait3A = tpu.memref_slice %arg15[%add3A_86] : memref<10240xf32, #tpu.memory_space<vmem_shared>> -> memref<128xf32, #tpu.memory_space<vmem_shared>>
      %dma_wait3A_168 = tpu.memref_slice %arg15[%add3A_86] : memref<10240xf32, #tpu.memory_space<vmem_shared>> -> memref<128xf32, #tpu.memory_space<vmem_shared>>
      tpu.wait_dma2 semaphore(%run_scoped3A_165 : memref<!tpu.dma_semaphore, #tpu.memory_space<semaphore_mem>>) src(%arg16 : memref<128xf32, #tpu.memory_space<vmem>>) dst(%dma_wait3A_168 : memref<128xf32, #tpu.memory_space<vmem_shared>>)
      tpu.yield
    }) : () -> ()
    %mul3A_87 = arith.constant 640 : i32
    %mul3A_88 = arith.muli %arg1, %mul3A_87 : i32
    %add3A_89 = arith.constant 512 : i32
    %add3A_90 = arith.addi %mul3A_88, %add3A_89 : i32
    "tpu.region"() ({
      %run_scoped3A_165 = tpu.sem_alloc : memref<!tpu.dma_semaphore, #tpu.memory_space<semaphore_mem>>
      %dma_start3A_166 = tpu.memref_slice %arg15[%add3A_90] : memref<10240xf32, #tpu.memory_space<vmem_shared>> -> memref<128xf32, #tpu.memory_space<vmem_shared>>
      %dma_start3A_167 = tpu.memref_slice %arg15[%add3A_90] : memref<10240xf32, #tpu.memory_space<vmem_shared>> -> memref<128xf32, #tpu.memory_space<vmem_shared>>
      tpu.enqueue_dma source(%arg16 : memref<128xf32, #tpu.memory_space<vmem>>) target(%dma_start3A_167 : memref<128xf32, #tpu.memory_space<vmem_shared>>) target_semaphore(%run_scoped3A_165 : memref<!tpu.dma_semaphore, #tpu.memory_space<semaphore_mem>>)
      %dma_wait3A = tpu.memref_slice %arg15[%add3A_90] : memref<10240xf32, #tpu.memory_space<vmem_shared>> -> memref<128xf32, #tpu.memory_space<vmem_shared>>
      %dma_wait3A_168 = tpu.memref_slice %arg15[%add3A_90] : memref<10240xf32, #tpu.memory_space<vmem_shared>> -> memref<128xf32, #tpu.memory_space<vmem_shared>>
      tpu.wait_dma2 semaphore(%run_scoped3A_165 : memref<!tpu.dma_semaphore, #tpu.memory_space<semaphore_mem>>) src(%arg16 : memref<128xf32, #tpu.memory_space<vmem>>) dst(%dma_wait3A_168 : memref<128xf32, #tpu.memory_space<vmem_shared>>)
      tpu.yield
    }) : () -> ()
    %broadcast_in_dim3A_91 = arith.constant 1.000000e+00 : f32
    %broadcast_in_dim3A_92 = vector.broadcast %broadcast_in_dim3A_91 : f32 to vector<16xf32>
    %swap3A_93 = arith.constant 0 : index
    %swap3A_94 = tpu.vector_load %arg16[%swap3A_93] {strides = array<i32>} : memref<128xf32, #tpu.memory_space<vmem>>, vector<16xf32>,
    %swap3A_95 = vector.shape_cast %swap3A_94 : vector<16xf32> to vector<16xf32>
    %swap3A_96 = vector.shape_cast %broadcast_in_dim3A_92 : vector<16xf32> to vector<16xf32>
    tpu.vector_store %arg16[%swap3A_93], %swap3A_96 {strides = array<i32>} : memref<128xf32, #tpu.memory_space<vmem>>, vector<16xf32>,
    %broadcast_in_dim3A_97 = arith.constant 1.000000e+00 : f32
    %broadcast_in_dim3A_98 = vector.broadcast %broadcast_in_dim3A_97 : f32 to vector<16xf32>
    %swap3A_99 = arith.constant 16 : index
    %swap3A_100 = tpu.vector_load %arg16[%swap3A_99] {strides = array<i32>} : memref<128xf32, #tpu.memory_space<vmem>>, vector<16xf32>,
    %swap3A_101 = vector.shape_cast %swap3A_100 : vector<16xf32> to vector<16xf32>
    %swap3A_102 = vector.shape_cast %broadcast_in_dim3A_98 : vector<16xf32> to vector<16xf32>
    tpu.vector_store %arg16[%swap3A_99], %swap3A_102 {strides = array<i32>} : memref<128xf32, #tpu.memory_space<vmem>>, vector<16xf32>,
    %broadcast_in_dim3A_103 = arith.constant 1.000000e+00 : f32
    %broadcast_in_dim3A_104 = vector.broadcast %broadcast_in_dim3A_103 : f32 to vector<16xf32>
    %swap3A_105 = arith.constant 32 : index
    %swap3A_106 = tpu.vector_load %arg16[%swap3A_105] {strides = array<i32>} : memref<128xf32, #tpu.memory_space<vmem>>, vector<16xf32>,
    %swap3A_107 = vector.shape_cast %swap3A_106 : vector<16xf32> to vector<16xf32>
    %swap3A_108 = vector.shape_cast %broadcast_in_dim3A_104 : vector<16xf32> to vector<16xf32>
    tpu.vector_store %arg16[%swap3A_105], %swap3A_108 {strides = array<i32>} : memref<128xf32, #tpu.memory_space<vmem>>, vector<16xf32>,
    %broadcast_in_dim3A_109 = arith.constant 1.000000e+00 : f32
    %broadcast_in_dim3A_110 = vector.broadcast %broadcast_in_dim3A_109 : f32 to vector<16xf32>
    %swap3A_111 = arith.constant 48 : index
    %swap3A_112 = tpu.vector_load %arg16[%swap3A_111] {strides = array<i32>} : memref<128xf32, #tpu.memory_space<vmem>>, vector<16xf32>,
    %swap3A_113 = vector.shape_cast %swap3A_112 : vector<16xf32> to vector<16xf32>
    %swap3A_114 = vector.shape_cast %broadcast_in_dim3A_110 : vector<16xf32> to vector<16xf32>
    tpu.vector_store %arg16[%swap3A_111], %swap3A_114 {strides = array<i32>} : memref<128xf32, #tpu.memory_space<vmem>>, vector<16xf32>,
    %broadcast_in_dim3A_115 = arith.constant 1.000000e+00 : f32
    %broadcast_in_dim3A_116 = vector.broadcast %broadcast_in_dim3A_115 : f32 to vector<16xf32>
    %swap3A_117 = arith.constant 64 : index
    %swap3A_118 = tpu.vector_load %arg16[%swap3A_117] {strides = array<i32>} : memref<128xf32, #tpu.memory_space<vmem>>, vector<16xf32>,
    %swap3A_119 = vector.shape_cast %swap3A_118 : vector<16xf32> to vector<16xf32>
    %swap3A_120 = vector.shape_cast %broadcast_in_dim3A_116 : vector<16xf32> to vector<16xf32>
    tpu.vector_store %arg16[%swap3A_117], %swap3A_120 {strides = array<i32>} : memref<128xf32, #tpu.memory_space<vmem>>, vector<16xf32>,
    %broadcast_in_dim3A_121 = arith.constant 1.000000e+00 : f32
    %broadcast_in_dim3A_122 = vector.broadcast %broadcast_in_dim3A_121 : f32 to vector<16xf32>
    %swap3A_123 = arith.constant 80 : index
    %swap3A_124 = tpu.vector_load %arg16[%swap3A_123] {strides = array<i32>} : memref<128xf32, #tpu.memory_space<vmem>>, vector<16xf32>,
    %swap3A_125 = vector.shape_cast %swap3A_124 : vector<16xf32> to vector<16xf32>
    %swap3A_126 = vector.shape_cast %broadcast_in_dim3A_122 : vector<16xf32> to vector<16xf32>
    tpu.vector_store %arg16[%swap3A_123], %swap3A_126 {strides = array<i32>} : memref<128xf32, #tpu.memory_space<vmem>>, vector<16xf32>,
    %broadcast_in_dim3A_127 = arith.constant 1.000000e+00 : f32
    %broadcast_in_dim3A_128 = vector.broadcast %broadcast_in_dim3A_127 : f32 to vector<16xf32>
    %swap3A_129 = arith.constant 96 : index
    %swap3A_130 = tpu.vector_load %arg16[%swap3A_129] {strides = array<i32>} : memref<128xf32, #tpu.memory_space<vmem>>, vector<16xf32>,
    %swap3A_131 = vector.shape_cast %swap3A_130 : vector<16xf32> to vector<16xf32>
    %swap3A_132 = vector.shape_cast %broadcast_in_dim3A_128 : vector<16xf32> to vector<16xf32>
    tpu.vector_store %arg16[%swap3A_129], %swap3A_132 {strides = array<i32>} : memref<128xf32, #tpu.memory_space<vmem>>, vector<16xf32>,
    %broadcast_in_dim3A_133 = arith.constant 1.000000e+00 : f32
    %broadcast_in_dim3A_134 = vector.broadcast %broadcast_in_dim3A_133 : f32 to vector<16xf32>
    %swap3A_135 = arith.constant 112 : index
    %swap3A_136 = tpu.vector_load %arg16[%swap3A_135] {strides = array<i32>} : memref<128xf32, #tpu.memory_space<vmem>>, vector<16xf32>,
    %swap3A_137 = vector.shape_cast %swap3A_136 : vector<16xf32> to vector<16xf32>
    %swap3A_138 = vector.shape_cast %broadcast_in_dim3A_134 : vector<16xf32> to vector<16xf32>
    tpu.vector_store %arg16[%swap3A_135], %swap3A_138 {strides = array<i32>} : memref<128xf32, #tpu.memory_space<vmem>>, vector<16xf32>,
    "tpu.region"() ({
      %run_scoped3A_165 = tpu.sem_alloc : memref<!tpu.dma_semaphore, #tpu.memory_space<semaphore_mem>>
      %dma_start3A_166 = arith.constant 0 : i32
      %dma_start3A_167 = arith.constant 0 : i32
      %dma_start3A_168 = tpu.memref_slice %arg3[%arg0, %arg1, %dma_start3A_166, %dma_start3A_167] : memref<2x16x80x128xi32, #tpu.memory_space<hbm>> -> memref<1x1x80x128xi32, #tpu.memory_space<hbm>>
      %dma_start3A_169 = tpu.memref_squeeze %dma_start3A_168 : memref<1x1x80x128xi32, #tpu.memory_space<hbm>> -> memref<80x128xi32, #tpu.memory_space<hbm>>
      %dma_start3A_170 = arith.constant 0 : i32
      %dma_start3A_171 = arith.constant 0 : i32
      %dma_start3A_172 = tpu.memref_slice %arg3[%arg0, %arg1, %dma_start3A_170, %dma_start3A_171] : memref<2x16x80x128xi32, #tpu.memory_space<hbm>> -> memref<1x1x80x128xi32, #tpu.memory_space<hbm>>
      %dma_start3A_173 = tpu.memref_squeeze %dma_start3A_172 : memref<1x1x80x128xi32, #tpu.memory_space<hbm>> -> memref<80x128xi32, #tpu.memory_space<hbm>>
      tpu.enqueue_dma source(%dma_start3A_173 : memref<80x128xi32, #tpu.memory_space<hbm>>) target(%arg7 : memref<80x128xi32, #tpu.memory_space<vmem>>) target_semaphore(%run_scoped3A_165 : memref<!tpu.dma_semaphore, #tpu.memory_space<semaphore_mem>>)
      %dma_wait3A = arith.constant 0 : i32
      %dma_wait3A_174 = arith.constant 0 : i32
      %dma_wait3A_175 = tpu.memref_slice %arg3[%arg0, %arg1, %dma_wait3A, %dma_wait3A_174] : memref<2x16x80x128xi32, #tpu.memory_space<hbm>> -> memref<1x1x80x128xi32, #tpu.memory_space<hbm>>
      %dma_wait3A_176 = tpu.memref_squeeze %dma_wait3A_175 : memref<1x1x80x128xi32, #tpu.memory_space<hbm>> -> memref<80x128xi32, #tpu.memory_space<hbm>>
      %dma_wait3A_177 = arith.constant 0 : i32
      %dma_wait3A_178 = arith.constant 0 : i32
      %dma_wait3A_179 = tpu.memref_slice %arg3[%arg0, %arg1, %dma_wait3A_177, %dma_wait3A_178] : memref<2x16x80x128xi32, #tpu.memory_space<hbm>> -> memref<1x1x80x128xi32, #tpu.memory_space<hbm>>
      %dma_wait3A_180 = tpu.memref_squeeze %dma_wait3A_179 : memref<1x1x80x128xi32, #tpu.memory_space<hbm>> -> memref<80x128xi32, #tpu.memory_space<hbm>>
      tpu.wait_dma2 semaphore(%run_scoped3A_165 : memref<!tpu.dma_semaphore, #tpu.memory_space<semaphore_mem>>) src(%dma_wait3A_180 : memref<80x128xi32, #tpu.memory_space<hbm>>) dst(%arg7 : memref<80x128xi32, #tpu.memory_space<vmem>>)
      tpu.yield
    }) : () -> ()
    "tpu.region"() ({
      %run_scoped3A_165 = tpu.sem_alloc : memref<!tpu.dma_semaphore, #tpu.memory_space<semaphore_mem>>
      %dma_start3A_166 = arith.constant 0 : i32
      %dma_start3A_167 = arith.constant 0 : i32
      %dma_start3A_168 = tpu.memref_slice %arg4[%arg0, %arg1, %dma_start3A_166, %dma_start3A_167] : memref<2x16x80x128xi32, #tpu.memory_space<hbm>> -> memref<1x1x80x128xi32, #tpu.memory_space<hbm>>
      %dma_start3A_169 = tpu.memref_squeeze %dma_start3A_168 : memref<1x1x80x128xi32, #tpu.memory_space<hbm>> -> memref<80x128xi32, #tpu.memory_space<hbm>>
      %dma_start3A_170 = arith.constant 0 : i32
      %dma_start3A_171 = arith.constant 0 : i32
      %dma_start3A_172 = tpu.memref_slice %arg4[%arg0, %arg1, %dma_start3A_170, %dma_start3A_171] : memref<2x16x80x128xi32, #tpu.memory_space<hbm>> -> memref<1x1x80x128xi32, #tpu.memory_space<hbm>>
      %dma_start3A_173 = tpu.memref_squeeze %dma_start3A_172 : memref<1x1x80x128xi32, #tpu.memory_space<hbm>> -> memref<80x128xi32, #tpu.memory_space<hbm>>
      tpu.enqueue_dma source(%dma_start3A_173 : memref<80x128xi32, #tpu.memory_space<hbm>>) target(%arg8 : memref<80x128xi32, #tpu.memory_space<vmem>>) target_semaphore(%run_scoped3A_165 : memref<!tpu.dma_semaphore, #tpu.memory_space<semaphore_mem>>)
      %dma_wait3A = arith.constant 0 : i32
      %dma_wait3A_174 = arith.constant 0 : i32
      %dma_wait3A_175 = tpu.memref_slice %arg4[%arg0, %arg1, %dma_wait3A, %dma_wait3A_174] : memref<2x16x80x128xi32, #tpu.memory_space<hbm>> -> memref<1x1x80x128xi32, #tpu.memory_space<hbm>>
      %dma_wait3A_176 = tpu.memref_squeeze %dma_wait3A_175 : memref<1x1x80x128xi32, #tpu.memory_space<hbm>> -> memref<80x128xi32, #tpu.memory_space<hbm>>
      %dma_wait3A_177 = arith.constant 0 : i32
      %dma_wait3A_178 = arith.constant 0 : i32
      %dma_wait3A_179 = tpu.memref_slice %arg4[%arg0, %arg1, %dma_wait3A_177, %dma_wait3A_178] : memref<2x16x80x128xi32, #tpu.memory_space<hbm>> -> memref<1x1x80x128xi32, #tpu.memory_space<hbm>>
      %dma_wait3A_180 = tpu.memref_squeeze %dma_wait3A_179 : memref<1x1x80x128xi32, #tpu.memory_space<hbm>> -> memref<80x128xi32, #tpu.memory_space<hbm>>
      tpu.wait_dma2 semaphore(%run_scoped3A_165 : memref<!tpu.dma_semaphore, #tpu.memory_space<semaphore_mem>>) src(%dma_wait3A_180 : memref<80x128xi32, #tpu.memory_space<hbm>>) dst(%arg8 : memref<80x128xi32, #tpu.memory_space<vmem>>)
      tpu.yield
    }) : () -> ()
    %barrier3A = arith.constant 0 : index
    tpu.barrier barrier_id(%barrier3A)
    %dma_start3A = arith.constant 0 : i32
    %dma_start3A_139 = arith.constant 0 : i32
    %dma_start3A_140 = tpu.memref_slice %arg7[%dma_start3A, %dma_start3A_139] : memref<80x128xi32, #tpu.memory_space<vmem>> -> memref<1x128xi32, #tpu.memory_space<vmem>>
    %dma_start3A_141 = tpu.memref_squeeze %dma_start3A_140 : memref<1x128xi32, #tpu.memory_space<vmem>> -> memref<128xi32, #tpu.memory_space<vmem>>
    %dma_start3A_142 = arith.constant 0 : i32
    %dma_start3A_143 = arith.constant 0 : i32
    %dma_start3A_144 = tpu.memref_slice %arg2[%dma_start3A_142, %dma_start3A_143] : memref<10240x64xbf16, #tpu.memory_space<hbm>> -> memref<10240x64xbf16, #tpu.memory_space<hbm>>
    tpu.enqueue_indirect_dma source(%dma_start3A_144 : memref<10240x64xbf16, #tpu.memory_space<hbm>>) target(%arg9 : memref<128x64xbf16, #tpu.memory_space<vmem>>) offsets(%dma_start3A_141 : memref<128xi32, #tpu.memory_space<vmem>>) semaphore(%arg12 : memref<!tpu.dma_semaphore, #tpu.memory_space<semaphore_mem>>)
    %dma_start3A_145 = arith.constant 1 : i32
    %dma_start3A_146 = arith.constant 0 : i32
    %dma_start3A_147 = tpu.memref_slice %arg7[%dma_start3A_145, %dma_start3A_146] : memref<80x128xi32, #tpu.memory_space<vmem>> -> memref<1x128xi32, #tpu.memory_space<vmem>>
    %dma_start3A_148 = tpu.memref_squeeze %dma_start3A_147 : memref<1x128xi32, #tpu.memory_space<vmem>> -> memref<128xi32, #tpu.memory_space<vmem>>
    %dma_start3A_149 = arith.constant 0 : i32
    %dma_start3A_150 = arith.constant 0 : i32
    %dma_start3A_151 = tpu.memref_slice %arg2[%dma_start3A_149, %dma_start3A_150] : memref<10240x64xbf16, #tpu.memory_space<hbm>> -> memref<10240x64xbf16, #tpu.memory_space<hbm>>
    tpu.enqueue_indirect_dma source(%dma_start3A_151 : memref<10240x64xbf16, #tpu.memory_space<hbm>>) target(%arg10 : memref<128x64xbf16, #tpu.memory_space<vmem>>) offsets(%dma_start3A_148 : memref<128xi32, #tpu.memory_space<vmem>>) semaphore(%arg13 : memref<!tpu.dma_semaphore, #tpu.memory_space<semaphore_mem>>)
    %scan3A_152 = arith.constant 0 : i32
    %scan3A_153 = arith.constant 0 : i32
    %scan3A_154 = arith.constant 40 : i32
    %scan3A_155 = arith.addi %scan3A_153, %scan3A_154 : i32
    %scan3A_156 = arith.constant 1 : i32
    scf.for %scan3A_165 = %scan3A_153 to %scan3A_155 step %scan3A_156  : i32 {
      %mul3A_166 = arith.constant 2 : i32
      %mul3A_167 = arith.muli %scan3A_165, %mul3A_166 : i32
      %add3A_168 = arith.constant 0 : i32
      %add3A_169 = arith.addi %mul3A_167, %add3A_168 : i32
      %dma_wait3A = arith.constant 0 : i32
      %dma_wait3A_170 = tpu.memref_slice %arg7[%add3A_169, %dma_wait3A] : memref<80x128xi32, #tpu.memory_space<vmem>> -> memref<1x128xi32, #tpu.memory_space<vmem>>
      %dma_wait3A_171 = tpu.memref_squeeze %dma_wait3A_170 : memref<1x128xi32, #tpu.memory_space<vmem>> -> memref<128xi32, #tpu.memory_space<vmem>>
      %dma_wait3A_172 = arith.constant 0 : i32
      %dma_wait3A_173 = arith.constant 0 : i32
      %dma_wait3A_174 = tpu.memref_slice %arg2[%dma_wait3A_172, %dma_wait3A_173] : memref<10240x64xbf16, #tpu.memory_space<hbm>> -> memref<10240x64xbf16, #tpu.memory_space<hbm>>
      tpu.wait_indirect_dma semaphore(%arg12 : memref<!tpu.dma_semaphore, #tpu.memory_space<semaphore_mem>>) src(%dma_wait3A_174 : memref<10240x64xbf16, #tpu.memory_space<hbm>>) dst(%arg9 : memref<128x64xbf16, #tpu.memory_space<vmem>>)
      "tpu.region"() ({
        %run_scoped3A_206 = tpu.sem_alloc : memref<!tpu.dma_semaphore, #tpu.memory_space<semaphore_mem>>
        %dma_start3A_207 = arith.constant 0 : i32
        %dma_start3A_208 = tpu.memref_slice %arg8[%add3A_169, %dma_start3A_207] : memref<80x128xi32, #tpu.memory_space<vmem>> -> memref<1x128xi32, #tpu.memory_space<vmem>>
        %dma_start3A_209 = tpu.memref_squeeze %dma_start3A_208 : memref<1x128xi32, #tpu.memory_space<vmem>> -> memref<128xi32, #tpu.memory_space<vmem>>
        %dma_start3A_210 = arith.constant 0 : i32
        %dma_start3A_211 = arith.constant 0 : i32
        %dma_start3A_212 = tpu.memref_slice %arg14[%dma_start3A_210, %dma_start3A_211] : memref<10240x64xbf16, #tpu.memory_space<vmem_shared>> -> memref<10240x64xbf16, #tpu.memory_space<vmem_shared>>
        tpu.enqueue_indirect_dma source(%arg9 : memref<128x64xbf16, #tpu.memory_space<vmem>>) target(%dma_start3A_212 : memref<10240x64xbf16, #tpu.memory_space<vmem_shared>>) offsets(%dma_start3A_209 : memref<128xi32, #tpu.memory_space<vmem>>) semaphore(%run_scoped3A_206 : memref<!tpu.dma_semaphore, #tpu.memory_space<semaphore_mem>>) {add = true}
        %dma_wait3A_213 = arith.constant 0 : i32
        %dma_wait3A_214 = tpu.memref_slice %arg8[%add3A_169, %dma_wait3A_213] : memref<80x128xi32, #tpu.memory_space<vmem>> -> memref<1x128xi32, #tpu.memory_space<vmem>>
        %dma_wait3A_215 = tpu.memref_squeeze %dma_wait3A_214 : memref<1x128xi32, #tpu.memory_space<vmem>> -> memref<128xi32, #tpu.memory_space<vmem>>
        %dma_wait3A_216 = arith.constant 0 : i32
        %dma_wait3A_217 = arith.constant 0 : i32
        %dma_wait3A_218 = tpu.memref_slice %arg14[%dma_wait3A_216, %dma_wait3A_217] : memref<10240x64xbf16, #tpu.memory_space<vmem_shared>> -> memref<10240x64xbf16, #tpu.memory_space<vmem_shared>>
        tpu.wait_indirect_dma semaphore(%run_scoped3A_206 : memref<!tpu.dma_semaphore, #tpu.memory_space<semaphore_mem>>) src(%arg9 : memref<128x64xbf16, #tpu.memory_space<vmem>>) dst(%dma_wait3A_218 : memref<10240x64xbf16, #tpu.memory_space<vmem_shared>>)
        tpu.yield
      }) : () -> ()
      %dma_start3A_175 = arith.constant 0 : i32
      %dma_start3A_176 = tpu.memref_slice %arg8[%add3A_169, %dma_start3A_175] : memref<80x128xi32, #tpu.memory_space<vmem>> -> memref<1x128xi32, #tpu.memory_space<vmem>>
      %dma_start3A_177 = tpu.memref_squeeze %dma_start3A_176 : memref<1x128xi32, #tpu.memory_space<vmem>> -> memref<128xi32, #tpu.memory_space<vmem>>
      %dma_start3A_178 = arith.constant 0 : i32
      %dma_start3A_179 = tpu.memref_slice %arg15[%dma_start3A_178] : memref<10240xf32, #tpu.memory_space<vmem_shared>> -> memref<10240xf32, #tpu.memory_space<vmem_shared>>
      tpu.enqueue_indirect_dma source(%arg16 : memref<128xf32, #tpu.memory_space<vmem>>) target(%dma_start3A_179 : memref<10240xf32, #tpu.memory_space<vmem_shared>>) offsets(%dma_start3A_177 : memref<128xi32, #tpu.memory_space<vmem>>) semaphore(%arg17 : memref<!tpu.dma_semaphore, #tpu.memory_space<semaphore_mem>>) {add = true}
      %add3A_180 = arith.constant 2 : i32
      %add3A_181 = arith.addi %add3A_169, %add3A_180 : i32
      %lt3A = arith.constant 80 : i32
      %lt3A_182 = arith.cmpi slt, %add3A_181, %lt3A : i32
      %convert_element_type3A = arith.extui %lt3A_182 : i1 to i32
      %cond3A = arith.constant 0 : i32
      %cond3A_183 = arith.cmpi ne, %convert_element_type3A, %cond3A : i32
      scf.if %cond3A_183 {
        %add3A_206 = arith.constant 2 : i32
        %add3A_207 = arith.addi %add3A_169, %add3A_206 : i32
        %dma_start3A_208 = arith.constant 0 : i32
        %dma_start3A_209 = tpu.memref_slice %arg7[%add3A_207, %dma_start3A_208] : memref<80x128xi32, #tpu.memory_space<vmem>> -> memref<1x128xi32, #tpu.memory_space<vmem>>
        %dma_start3A_210 = tpu.memref_squeeze %dma_start3A_209 : memref<1x128xi32, #tpu.memory_space<vmem>> -> memref<128xi32, #tpu.memory_space<vmem>>
        %dma_start3A_211 = arith.constant 0 : i32
        %dma_start3A_212 = arith.constant 0 : i32
        %dma_start3A_213 = tpu.memref_slice %arg2[%dma_start3A_211, %dma_start3A_212] : memref<10240x64xbf16, #tpu.memory_space<hbm>> -> memref<10240x64xbf16, #tpu.memory_space<hbm>>
        tpu.enqueue_indirect_dma source(%dma_start3A_213 : memref<10240x64xbf16, #tpu.memory_space<hbm>>) target(%arg9 : memref<128x64xbf16, #tpu.memory_space<vmem>>) offsets(%dma_start3A_210 : memref<128xi32, #tpu.memory_space<vmem>>) semaphore(%arg12 : memref<!tpu.dma_semaphore, #tpu.memory_space<semaphore_mem>>)
      } else {
      }
      %mul3A_184 = arith.constant 2 : i32
      %mul3A_185 = arith.muli %scan3A_165, %mul3A_184 : i32
      %add3A_186 = arith.constant 1 : i32
      %add3A_187 = arith.addi %mul3A_185, %add3A_186 : i32
      %dma_wait3A_188 = arith.constant 0 : i32
      %dma_wait3A_189 = tpu.memref_slice %arg7[%add3A_187, %dma_wait3A_188] : memref<80x128xi32, #tpu.memory_space<vmem>> -> memref<1x128xi32, #tpu.memory_space<vmem>>
      %dma_wait3A_190 = tpu.memref_squeeze %dma_wait3A_189 : memref<1x128xi32, #tpu.memory_space<vmem>> -> memref<128xi32, #tpu.memory_space<vmem>>
      %dma_wait3A_191 = arith.constant 0 : i32
      %dma_wait3A_192 = arith.constant 0 : i32
      %dma_wait3A_193 = tpu.memref_slice %arg2[%dma_wait3A_191, %dma_wait3A_192] : memref<10240x64xbf16, #tpu.memory_space<hbm>> -> memref<10240x64xbf16, #tpu.memory_space<hbm>>
      tpu.wait_indirect_dma semaphore(%arg13 : memref<!tpu.dma_semaphore, #tpu.memory_space<semaphore_mem>>) src(%dma_wait3A_193 : memref<10240x64xbf16, #tpu.memory_space<hbm>>) dst(%arg10 : memref<128x64xbf16, #tpu.memory_space<vmem>>)
      "tpu.region"() ({
        %run_scoped3A_206 = tpu.sem_alloc : memref<!tpu.dma_semaphore, #tpu.memory_space<semaphore_mem>>
        %dma_start3A_207 = arith.constant 0 : i32
        %dma_start3A_208 = tpu.memref_slice %arg8[%add3A_187, %dma_start3A_207] : memref<80x128xi32, #tpu.memory_space<vmem>> -> memref<1x128xi32, #tpu.memory_space<vmem>>
        %dma_start3A_209 = tpu.memref_squeeze %dma_start3A_208 : memref<1x128xi32, #tpu.memory_space<vmem>> -> memref<128xi32, #tpu.memory_space<vmem>>
        %dma_start3A_210 = arith.constant 0 : i32
        %dma_start3A_211 = arith.constant 0 : i32
        %dma_start3A_212 = tpu.memref_slice %arg14[%dma_start3A_210, %dma_start3A_211] : memref<10240x64xbf16, #tpu.memory_space<vmem_shared>> -> memref<10240x64xbf16, #tpu.memory_space<vmem_shared>>
        tpu.enqueue_indirect_dma source(%arg10 : memref<128x64xbf16, #tpu.memory_space<vmem>>) target(%dma_start3A_212 : memref<10240x64xbf16, #tpu.memory_space<vmem_shared>>) offsets(%dma_start3A_209 : memref<128xi32, #tpu.memory_space<vmem>>) semaphore(%run_scoped3A_206 : memref<!tpu.dma_semaphore, #tpu.memory_space<semaphore_mem>>) {add = true}
        %dma_wait3A_213 = arith.constant 0 : i32
        %dma_wait3A_214 = tpu.memref_slice %arg8[%add3A_187, %dma_wait3A_213] : memref<80x128xi32, #tpu.memory_space<vmem>> -> memref<1x128xi32, #tpu.memory_space<vmem>>
        %dma_wait3A_215 = tpu.memref_squeeze %dma_wait3A_214 : memref<1x128xi32, #tpu.memory_space<vmem>> -> memref<128xi32, #tpu.memory_space<vmem>>
        %dma_wait3A_216 = arith.constant 0 : i32
        %dma_wait3A_217 = arith.constant 0 : i32
        %dma_wait3A_218 = tpu.memref_slice %arg14[%dma_wait3A_216, %dma_wait3A_217] : memref<10240x64xbf16, #tpu.memory_space<vmem_shared>> -> memref<10240x64xbf16, #tpu.memory_space<vmem_shared>>
        tpu.wait_indirect_dma semaphore(%run_scoped3A_206 : memref<!tpu.dma_semaphore, #tpu.memory_space<semaphore_mem>>) src(%arg10 : memref<128x64xbf16, #tpu.memory_space<vmem>>) dst(%dma_wait3A_218 : memref<10240x64xbf16, #tpu.memory_space<vmem_shared>>)
        tpu.yield
      }) : () -> ()
      %dma_start3A_194 = arith.constant 0 : i32
      %dma_start3A_195 = tpu.memref_slice %arg8[%add3A_187, %dma_start3A_194] : memref<80x128xi32, #tpu.memory_space<vmem>> -> memref<1x128xi32, #tpu.memory_space<vmem>>
      %dma_start3A_196 = tpu.memref_squeeze %dma_start3A_195 : memref<1x128xi32, #tpu.memory_space<vmem>> -> memref<128xi32, #tpu.memory_space<vmem>>
      %dma_start3A_197 = arith.constant 0 : i32
      %dma_start3A_198 = tpu.memref_slice %arg15[%dma_start3A_197] : memref<10240xf32, #tpu.memory_space<vmem_shared>> -> memref<10240xf32, #tpu.memory_space<vmem_shared>>
      tpu.enqueue_indirect_dma source(%arg16 : memref<128xf32, #tpu.memory_space<vmem>>) target(%dma_start3A_198 : memref<10240xf32, #tpu.memory_space<vmem_shared>>) offsets(%dma_start3A_196 : memref<128xi32, #tpu.memory_space<vmem>>) semaphore(%arg17 : memref<!tpu.dma_semaphore, #tpu.memory_space<semaphore_mem>>) {add = true}
      %add3A_199 = arith.constant 2 : i32
      %add3A_200 = arith.addi %add3A_187, %add3A_199 : i32
      %lt3A_201 = arith.constant 80 : i32
      %lt3A_202 = arith.cmpi slt, %add3A_200, %lt3A_201 : i32
      %convert_element_type3A_203 = arith.extui %lt3A_202 : i1 to i32
      %cond3A_204 = arith.constant 0 : i32
      %cond3A_205 = arith.cmpi ne, %convert_element_type3A_203, %cond3A_204 : i32
      scf.if %cond3A_205 {
        %add3A_206 = arith.constant 2 : i32
        %add3A_207 = arith.addi %add3A_187, %add3A_206 : i32
        %dma_start3A_208 = arith.constant 0 : i32
        %dma_start3A_209 = tpu.memref_slice %arg7[%add3A_207, %dma_start3A_208] : memref<80x128xi32, #tpu.memory_space<vmem>> -> memref<1x128xi32, #tpu.memory_space<vmem>>
        %dma_start3A_210 = tpu.memref_squeeze %dma_start3A_209 : memref<1x128xi32, #tpu.memory_space<vmem>> -> memref<128xi32, #tpu.memory_space<vmem>>
        %dma_start3A_211 = arith.constant 0 : i32
        %dma_start3A_212 = arith.constant 0 : i32
        %dma_start3A_213 = tpu.memref_slice %arg2[%dma_start3A_211, %dma_start3A_212] : memref<10240x64xbf16, #tpu.memory_space<hbm>> -> memref<10240x64xbf16, #tpu.memory_space<hbm>>
        tpu.enqueue_indirect_dma source(%dma_start3A_213 : memref<10240x64xbf16, #tpu.memory_space<hbm>>) target(%arg10 : memref<128x64xbf16, #tpu.memory_space<vmem>>) offsets(%dma_start3A_210 : memref<128xi32, #tpu.memory_space<vmem>>) semaphore(%arg13 : memref<!tpu.dma_semaphore, #tpu.memory_space<semaphore_mem>>)
      } else {
      }
    }
    %scan3A_157 = arith.constant 40 : i32
    %scan3A_158 = arith.constant 0 : i32
    %scan3A_159 = arith.constant 0 : i32
    %scan3A_160 = arith.constant 80 : i32
    %scan3A_161 = arith.addi %scan3A_159, %scan3A_160 : i32
    %scan3A_162 = arith.constant 1 : i32
    scf.for %scan3A_165 = %scan3A_159 to %scan3A_161 step %scan3A_162  : i32 {
      %dma_wait3A = arith.constant 0 : i32
      %dma_wait3A_166 = tpu.memref_slice %arg8[%scan3A_165, %dma_wait3A] : memref<80x128xi32, #tpu.memory_space<vmem>> -> memref<1x128xi32, #tpu.memory_space<vmem>>
      %dma_wait3A_167 = tpu.memref_squeeze %dma_wait3A_166 : memref<1x128xi32, #tpu.memory_space<vmem>> -> memref<128xi32, #tpu.memory_space<vmem>>
      %dma_wait3A_168 = arith.constant 0 : i32
      %dma_wait3A_169 = tpu.memref_slice %arg15[%dma_wait3A_168] : memref<10240xf32, #tpu.memory_space<vmem_shared>> -> memref<10240xf32, #tpu.memory_space<vmem_shared>>
      tpu.wait_indirect_dma semaphore(%arg17 : memref<!tpu.dma_semaphore, #tpu.memory_space<semaphore_mem>>) src(%arg16 : memref<128xf32, #tpu.memory_space<vmem>>) dst(%dma_wait3A_169 : memref<10240xf32, #tpu.memory_space<vmem_shared>>)
    }
    %scan3A_163 = arith.constant 80 : i32
    %barrier3A_164 = arith.constant 0 : index
    tpu.barrier barrier_id(%barrier3A_164)
    "tpu.region"() ({
      %run_scoped3A_165 = tpu.sem_alloc : memref<!tpu.dma_semaphore, #tpu.memory_space<semaphore_mem>>
      %dma_start3A_166 = arith.constant 0 : i32
      %dma_start3A_167 = tpu.memref_slice %arg5[%arg0, %mul3A_0, %dma_start3A_166] : memref<2x10240x64xbf16, #tpu.memory_space<hbm>> -> memref<1x640x64xbf16, #tpu.memory_space<hbm>>
      %dma_start3A_168 = tpu.memref_squeeze %dma_start3A_167 : memref<1x640x64xbf16, #tpu.memory_space<hbm>> -> memref<640x64xbf16, #tpu.memory_space<hbm>>
      %dma_start3A_169 = arith.constant 0 : i32
      %dma_start3A_170 = tpu.memref_slice %arg14[%mul3A_0, %dma_start3A_169] : memref<10240x64xbf16, #tpu.memory_space<vmem_shared>> -> memref<640x64xbf16, #tpu.memory_space<vmem_shared>>
      tpu.enqueue_dma source(%dma_start3A_170 : memref<640x64xbf16, #tpu.memory_space<vmem_shared>>) target(%dma_start3A_168 : memref<640x64xbf16, #tpu.memory_space<hbm>>) target_semaphore(%run_scoped3A_165 : memref<!tpu.dma_semaphore, #tpu.memory_space<semaphore_mem>>)
      %dma_wait3A = arith.constant 0 : i32
      %dma_wait3A_171 = tpu.memref_slice %arg5[%arg0, %mul3A_0, %dma_wait3A] : memref<2x10240x64xbf16, #tpu.memory_space<hbm>> -> memref<1x640x64xbf16, #tpu.memory_space<hbm>>
      %dma_wait3A_172 = tpu.memref_squeeze %dma_wait3A_171 : memref<1x640x64xbf16, #tpu.memory_space<hbm>> -> memref<640x64xbf16, #tpu.memory_space<hbm>>
      %dma_wait3A_173 = arith.constant 0 : i32
      %dma_wait3A_174 = tpu.memref_slice %arg14[%mul3A_0, %dma_wait3A_173] : memref<10240x64xbf16, #tpu.memory_space<vmem_shared>> -> memref<640x64xbf16, #tpu.memory_space<vmem_shared>>
      tpu.wait_dma2 semaphore(%run_scoped3A_165 : memref<!tpu.dma_semaphore, #tpu.memory_space<semaphore_mem>>) src(%dma_wait3A_174 : memref<640x64xbf16, #tpu.memory_space<vmem_shared>>) dst(%dma_wait3A_172 : memref<640x64xbf16, #tpu.memory_space<hbm>>)
      tpu.yield
    }) : () -> ()
    %run_scoped3A = arith.constant 0 : i32
    "tpu.region"() ({
      %run_scoped3A_165 = tpu.sem_alloc : memref<!tpu.dma_semaphore, #tpu.memory_space<semaphore_mem>>
      %dma_start3A_166 = tpu.memref_slice %arg6[%arg0, %run_scoped3A, %mul3A_0] : memref<2x1x10240xf32, #tpu.memory_space<hbm>> -> memref<1x1x640xf32, #tpu.memory_space<hbm>>
      %dma_start3A_167 = tpu.memref_squeeze %dma_start3A_166 : memref<1x1x640xf32, #tpu.memory_space<hbm>> -> memref<640xf32, #tpu.memory_space<hbm>>
      %dma_start3A_168 = tpu.memref_slice %arg15[%mul3A_0] : memref<10240xf32, #tpu.memory_space<vmem_shared>> -> memref<640xf32, #tpu.memory_space<vmem_shared>>
      tpu.enqueue_dma source(%dma_start3A_168 : memref<640xf32, #tpu.memory_space<vmem_shared>>) target(%dma_start3A_167 : memref<640xf32, #tpu.memory_space<hbm>>) target_semaphore(%run_scoped3A_165 : memref<!tpu.dma_semaphore, #tpu.memory_space<semaphore_mem>>)
      %dma_wait3A = tpu.memref_slice %arg6[%arg0, %run_scoped3A, %mul3A_0] : memref<2x1x10240xf32, #tpu.memory_space<hbm>> -> memref<1x1x640xf32, #tpu.memory_space<hbm>>
      %dma_wait3A_169 = tpu.memref_squeeze %dma_wait3A : memref<1x1x640xf32, #tpu.memory_space<hbm>> -> memref<640xf32, #tpu.memory_space<hbm>>
      %dma_wait3A_170 = tpu.memref_slice %arg15[%mul3A_0] : memref<10240xf32, #tpu.memory_space<vmem_shared>> -> memref<640xf32, #tpu.memory_space<vmem_shared>>
      tpu.wait_dma2 semaphore(%run_scoped3A_165 : memref<!tpu.dma_semaphore, #tpu.memory_space<semaphore_mem>>) src(%dma_wait3A_170 : memref<640xf32, #tpu.memory_space<vmem_shared>>) dst(%dma_wait3A_169 : memref<640xf32, #tpu.memory_space<hbm>>)
      tpu.yield
    }) : () -> ()
    return
  }
}

#map = affine_map<(d0, d1) -> (0, 0)>
#map1 = affine_map<(d0, d1) -> (0, 0, 0, 0)>
#map2 = affine_map<(d0, d1) -> (0, 0, 0)>
module attributes {stable_mosaic.version = 14 : i64} {
  func.func @body(%arg0: i32, %arg1: i32, %arg2: memref<10240x16xf32, #tpu.memory_space<hbm>>, %arg3: memref<2x16x80x128xi32, #tpu.memory_space<hbm>>, %arg4: memref<2x16x80x128xi32, #tpu.memory_space<hbm>>, %arg5: memref<2x10240x16xf32, #tpu.memory_space<hbm>>, %arg6: memref<80x128xi32, #tpu.memory_space<vmem>>, %arg7: memref<80x128xi32, #tpu.memory_space<vmem>>, %arg8: memref<128x16xf32, #tpu.memory_space<vmem>>, %arg9: memref<128x16xf32, #tpu.memory_space<vmem>>, %arg10: memref<128x16xf32, #tpu.memory_space<vmem>>, %arg11: memref<!tpu.dma_semaphore, #tpu.memory_space<semaphore_mem>>, %arg12: memref<!tpu.dma_semaphore, #tpu.memory_space<semaphore_mem>>, %arg13: memref<10240x16xf32, #tpu.memory_space<vmem_shared>>) attributes {dimension_semantics = [#tpu.dimension_semantics<core_parallel>, #tpu.dimension_semantics<subcore_parallel>], iteration_bounds = array<i64: 2, 16>, scalar_prefetch = 0 : i64, scratch_operands = 8 : i64, tpu.core_type = #tpu.core_type<sc_vector_subcore>, window_params = [{transform_indices = #map}, {transform_indices = #map1}, {transform_indices = #map1}, {transform_indices = #map2}]} {
    %mul3A = arith.constant 640 : i32
    %mul3A_0 = arith.muli %arg1, %mul3A : i32
    %scan3A = arith.constant 0 : i32
    %scan3A_1 = arith.constant 0 : i32
    %scan3A_2 = arith.constant 128 : i32
    %scan3A_3 = arith.addi %scan3A_1, %scan3A_2 : i32
    %scan3A_4 = arith.constant 1 : i32
    scf.for %scan3A_45 = %scan3A_1 to %scan3A_3 step %scan3A_4  : i32 {
      %broadcast_in_dim3A = arith.constant 0.000000e+00 : f32
      %broadcast_in_dim3A_46 = vector.broadcast %broadcast_in_dim3A : f32 to vector<16xf32>
      %swap3A = arith.index_cast %scan3A_45 : i32 to index
      %swap3A_47 = arith.constant 0 : index
      %swap3A_48 = tpu.vector_load %arg10[%swap3A, %swap3A_47] {strides = array<i32>} : memref<128x16xf32, #tpu.memory_space<vmem>>, vector<1x16xf32>,
      %swap3A_49 = vector.shape_cast %swap3A_48 : vector<1x16xf32> to vector<16xf32>
      %swap3A_50 = vector.shape_cast %broadcast_in_dim3A_46 : vector<16xf32> to vector<1x16xf32>
      tpu.vector_store %arg10[%swap3A, %swap3A_47], %swap3A_50 {strides = array<i32>} : memref<128x16xf32, #tpu.memory_space<vmem>>, vector<1x16xf32>,
    }
    %scan3A_5 = arith.constant 128 : i32
    %mul3A_6 = arith.constant 640 : i32
    %mul3A_7 = arith.muli %arg1, %mul3A_6 : i32
    %add3A = arith.constant 0 : i32
    %add3A_8 = arith.addi %mul3A_7, %add3A : i32
    "tpu.region"() ({
      %run_scoped3A = tpu.sem_alloc : memref<!tpu.dma_semaphore, #tpu.memory_space<semaphore_mem>>
      %dma_start3A_45 = arith.constant 0 : i32
      %dma_start3A_46 = tpu.memref_slice %arg13[%add3A_8, %dma_start3A_45] : memref<10240x16xf32, #tpu.memory_space<vmem_shared>> -> memref<128x16xf32, #tpu.memory_space<vmem_shared>>
      %dma_start3A_47 = arith.constant 0 : i32
      %dma_start3A_48 = tpu.memref_slice %arg13[%add3A_8, %dma_start3A_47] : memref<10240x16xf32, #tpu.memory_space<vmem_shared>> -> memref<128x16xf32, #tpu.memory_space<vmem_shared>>
      tpu.enqueue_dma source(%arg10 : memref<128x16xf32, #tpu.memory_space<vmem>>) target(%dma_start3A_48 : memref<128x16xf32, #tpu.memory_space<vmem_shared>>) target_semaphore(%run_scoped3A : memref<!tpu.dma_semaphore, #tpu.memory_space<semaphore_mem>>)
      %dma_wait3A = arith.constant 0 : i32
      %dma_wait3A_49 = tpu.memref_slice %arg13[%add3A_8, %dma_wait3A] : memref<10240x16xf32, #tpu.memory_space<vmem_shared>> -> memref<128x16xf32, #tpu.memory_space<vmem_shared>>
      %dma_wait3A_50 = arith.constant 0 : i32
      %dma_wait3A_51 = tpu.memref_slice %arg13[%add3A_8, %dma_wait3A_50] : memref<10240x16xf32, #tpu.memory_space<vmem_shared>> -> memref<128x16xf32, #tpu.memory_space<vmem_shared>>
      tpu.wait_dma2 semaphore(%run_scoped3A : memref<!tpu.dma_semaphore, #tpu.memory_space<semaphore_mem>>) src(%arg10 : memref<128x16xf32, #tpu.memory_space<vmem>>) dst(%dma_wait3A_51 : memref<128x16xf32, #tpu.memory_space<vmem_shared>>)
      tpu.yield
    }) : () -> ()
    %mul3A_9 = arith.constant 640 : i32
    %mul3A_10 = arith.muli %arg1, %mul3A_9 : i32
    %add3A_11 = arith.constant 128 : i32
    %add3A_12 = arith.addi %mul3A_10, %add3A_11 : i32
    "tpu.region"() ({
      %run_scoped3A = tpu.sem_alloc : memref<!tpu.dma_semaphore, #tpu.memory_space<semaphore_mem>>
      %dma_start3A_45 = arith.constant 0 : i32
      %dma_start3A_46 = tpu.memref_slice %arg13[%add3A_12, %dma_start3A_45] : memref<10240x16xf32, #tpu.memory_space<vmem_shared>> -> memref<128x16xf32, #tpu.memory_space<vmem_shared>>
      %dma_start3A_47 = arith.constant 0 : i32
      %dma_start3A_48 = tpu.memref_slice %arg13[%add3A_12, %dma_start3A_47] : memref<10240x16xf32, #tpu.memory_space<vmem_shared>> -> memref<128x16xf32, #tpu.memory_space<vmem_shared>>
      tpu.enqueue_dma source(%arg10 : memref<128x16xf32, #tpu.memory_space<vmem>>) target(%dma_start3A_48 : memref<128x16xf32, #tpu.memory_space<vmem_shared>>) target_semaphore(%run_scoped3A : memref<!tpu.dma_semaphore, #tpu.memory_space<semaphore_mem>>)
      %dma_wait3A = arith.constant 0 : i32
      %dma_wait3A_49 = tpu.memref_slice %arg13[%add3A_12, %dma_wait3A] : memref<10240x16xf32, #tpu.memory_space<vmem_shared>> -> memref<128x16xf32, #tpu.memory_space<vmem_shared>>
      %dma_wait3A_50 = arith.constant 0 : i32
      %dma_wait3A_51 = tpu.memref_slice %arg13[%add3A_12, %dma_wait3A_50] : memref<10240x16xf32, #tpu.memory_space<vmem_shared>> -> memref<128x16xf32, #tpu.memory_space<vmem_shared>>
      tpu.wait_dma2 semaphore(%run_scoped3A : memref<!tpu.dma_semaphore, #tpu.memory_space<semaphore_mem>>) src(%arg10 : memref<128x16xf32, #tpu.memory_space<vmem>>) dst(%dma_wait3A_51 : memref<128x16xf32, #tpu.memory_space<vmem_shared>>)
      tpu.yield
    }) : () -> ()
    %mul3A_13 = arith.constant 640 : i32
    %mul3A_14 = arith.muli %arg1, %mul3A_13 : i32
    %add3A_15 = arith.constant 256 : i32
    %add3A_16 = arith.addi %mul3A_14, %add3A_15 : i32
    "tpu.region"() ({
      %run_scoped3A = tpu.sem_alloc : memref<!tpu.dma_semaphore, #tpu.memory_space<semaphore_mem>>
      %dma_start3A_45 = arith.constant 0 : i32
      %dma_start3A_46 = tpu.memref_slice %arg13[%add3A_16, %dma_start3A_45] : memref<10240x16xf32, #tpu.memory_space<vmem_shared>> -> memref<128x16xf32, #tpu.memory_space<vmem_shared>>
      %dma_start3A_47 = arith.constant 0 : i32
      %dma_start3A_48 = tpu.memref_slice %arg13[%add3A_16, %dma_start3A_47] : memref<10240x16xf32, #tpu.memory_space<vmem_shared>> -> memref<128x16xf32, #tpu.memory_space<vmem_shared>>
      tpu.enqueue_dma source(%arg10 : memref<128x16xf32, #tpu.memory_space<vmem>>) target(%dma_start3A_48 : memref<128x16xf32, #tpu.memory_space<vmem_shared>>) target_semaphore(%run_scoped3A : memref<!tpu.dma_semaphore, #tpu.memory_space<semaphore_mem>>)
      %dma_wait3A = arith.constant 0 : i32
      %dma_wait3A_49 = tpu.memref_slice %arg13[%add3A_16, %dma_wait3A] : memref<10240x16xf32, #tpu.memory_space<vmem_shared>> -> memref<128x16xf32, #tpu.memory_space<vmem_shared>>
      %dma_wait3A_50 = arith.constant 0 : i32
      %dma_wait3A_51 = tpu.memref_slice %arg13[%add3A_16, %dma_wait3A_50] : memref<10240x16xf32, #tpu.memory_space<vmem_shared>> -> memref<128x16xf32, #tpu.memory_space<vmem_shared>>
      tpu.wait_dma2 semaphore(%run_scoped3A : memref<!tpu.dma_semaphore, #tpu.memory_space<semaphore_mem>>) src(%arg10 : memref<128x16xf32, #tpu.memory_space<vmem>>) dst(%dma_wait3A_51 : memref<128x16xf32, #tpu.memory_space<vmem_shared>>)
      tpu.yield
    }) : () -> ()
    %mul3A_17 = arith.constant 640 : i32
    %mul3A_18 = arith.muli %arg1, %mul3A_17 : i32
    %add3A_19 = arith.constant 384 : i32
    %add3A_20 = arith.addi %mul3A_18, %add3A_19 : i32
    "tpu.region"() ({
      %run_scoped3A = tpu.sem_alloc : memref<!tpu.dma_semaphore, #tpu.memory_space<semaphore_mem>>
      %dma_start3A_45 = arith.constant 0 : i32
      %dma_start3A_46 = tpu.memref_slice %arg13[%add3A_20, %dma_start3A_45] : memref<10240x16xf32, #tpu.memory_space<vmem_shared>> -> memref<128x16xf32, #tpu.memory_space<vmem_shared>>
      %dma_start3A_47 = arith.constant 0 : i32
      %dma_start3A_48 = tpu.memref_slice %arg13[%add3A_20, %dma_start3A_47] : memref<10240x16xf32, #tpu.memory_space<vmem_shared>> -> memref<128x16xf32, #tpu.memory_space<vmem_shared>>
      tpu.enqueue_dma source(%arg10 : memref<128x16xf32, #tpu.memory_space<vmem>>) target(%dma_start3A_48 : memref<128x16xf32, #tpu.memory_space<vmem_shared>>) target_semaphore(%run_scoped3A : memref<!tpu.dma_semaphore, #tpu.memory_space<semaphore_mem>>)
      %dma_wait3A = arith.constant 0 : i32
      %dma_wait3A_49 = tpu.memref_slice %arg13[%add3A_20, %dma_wait3A] : memref<10240x16xf32, #tpu.memory_space<vmem_shared>> -> memref<128x16xf32, #tpu.memory_space<vmem_shared>>
      %dma_wait3A_50 = arith.constant 0 : i32
      %dma_wait3A_51 = tpu.memref_slice %arg13[%add3A_20, %dma_wait3A_50] : memref<10240x16xf32, #tpu.memory_space<vmem_shared>> -> memref<128x16xf32, #tpu.memory_space<vmem_shared>>
      tpu.wait_dma2 semaphore(%run_scoped3A : memref<!tpu.dma_semaphore, #tpu.memory_space<semaphore_mem>>) src(%arg10 : memref<128x16xf32, #tpu.memory_space<vmem>>) dst(%dma_wait3A_51 : memref<128x16xf32, #tpu.memory_space<vmem_shared>>)
      tpu.yield
    }) : () -> ()
    %mul3A_21 = arith.constant 640 : i32
    %mul3A_22 = arith.muli %arg1, %mul3A_21 : i32
    %add3A_23 = arith.constant 512 : i32
    %add3A_24 = arith.addi %mul3A_22, %add3A_23 : i32
    "tpu.region"() ({
      %run_scoped3A = tpu.sem_alloc : memref<!tpu.dma_semaphore, #tpu.memory_space<semaphore_mem>>
      %dma_start3A_45 = arith.constant 0 : i32
      %dma_start3A_46 = tpu.memref_slice %arg13[%add3A_24, %dma_start3A_45] : memref<10240x16xf32, #tpu.memory_space<vmem_shared>> -> memref<128x16xf32, #tpu.memory_space<vmem_shared>>
      %dma_start3A_47 = arith.constant 0 : i32
      %dma_start3A_48 = tpu.memref_slice %arg13[%add3A_24, %dma_start3A_47] : memref<10240x16xf32, #tpu.memory_space<vmem_shared>> -> memref<128x16xf32, #tpu.memory_space<vmem_shared>>
      tpu.enqueue_dma source(%arg10 : memref<128x16xf32, #tpu.memory_space<vmem>>) target(%dma_start3A_48 : memref<128x16xf32, #tpu.memory_space<vmem_shared>>) target_semaphore(%run_scoped3A : memref<!tpu.dma_semaphore, #tpu.memory_space<semaphore_mem>>)
      %dma_wait3A = arith.constant 0 : i32
      %dma_wait3A_49 = tpu.memref_slice %arg13[%add3A_24, %dma_wait3A] : memref<10240x16xf32, #tpu.memory_space<vmem_shared>> -> memref<128x16xf32, #tpu.memory_space<vmem_shared>>
      %dma_wait3A_50 = arith.constant 0 : i32
      %dma_wait3A_51 = tpu.memref_slice %arg13[%add3A_24, %dma_wait3A_50] : memref<10240x16xf32, #tpu.memory_space<vmem_shared>> -> memref<128x16xf32, #tpu.memory_space<vmem_shared>>
      tpu.wait_dma2 semaphore(%run_scoped3A : memref<!tpu.dma_semaphore, #tpu.memory_space<semaphore_mem>>) src(%arg10 : memref<128x16xf32, #tpu.memory_space<vmem>>) dst(%dma_wait3A_51 : memref<128x16xf32, #tpu.memory_space<vmem_shared>>)
      tpu.yield
    }) : () -> ()
    "tpu.region"() ({
      %run_scoped3A = tpu.sem_alloc : memref<!tpu.dma_semaphore, #tpu.memory_space<semaphore_mem>>
      %dma_start3A_45 = arith.constant 0 : i32
      %dma_start3A_46 = arith.constant 0 : i32
      %dma_start3A_47 = tpu.memref_slice %arg3[%arg0, %arg1, %dma_start3A_45, %dma_start3A_46] : memref<2x16x80x128xi32, #tpu.memory_space<hbm>> -> memref<1x1x80x128xi32, #tpu.memory_space<hbm>>
      %dma_start3A_48 = tpu.memref_squeeze %dma_start3A_47 : memref<1x1x80x128xi32, #tpu.memory_space<hbm>> -> memref<80x128xi32, #tpu.memory_space<hbm>>
      %dma_start3A_49 = arith.constant 0 : i32
      %dma_start3A_50 = arith.constant 0 : i32
      %dma_start3A_51 = tpu.memref_slice %arg3[%arg0, %arg1, %dma_start3A_49, %dma_start3A_50] : memref<2x16x80x128xi32, #tpu.memory_space<hbm>> -> memref<1x1x80x128xi32, #tpu.memory_space<hbm>>
      %dma_start3A_52 = tpu.memref_squeeze %dma_start3A_51 : memref<1x1x80x128xi32, #tpu.memory_space<hbm>> -> memref<80x128xi32, #tpu.memory_space<hbm>>
      tpu.enqueue_dma source(%dma_start3A_52 : memref<80x128xi32, #tpu.memory_space<hbm>>) target(%arg6 : memref<80x128xi32, #tpu.memory_space<vmem>>) target_semaphore(%run_scoped3A : memref<!tpu.dma_semaphore, #tpu.memory_space<semaphore_mem>>)
      %dma_wait3A = arith.constant 0 : i32
      %dma_wait3A_53 = arith.constant 0 : i32
      %dma_wait3A_54 = tpu.memref_slice %arg3[%arg0, %arg1, %dma_wait3A, %dma_wait3A_53] : memref<2x16x80x128xi32, #tpu.memory_space<hbm>> -> memref<1x1x80x128xi32, #tpu.memory_space<hbm>>
      %dma_wait3A_55 = tpu.memref_squeeze %dma_wait3A_54 : memref<1x1x80x128xi32, #tpu.memory_space<hbm>> -> memref<80x128xi32, #tpu.memory_space<hbm>>
      %dma_wait3A_56 = arith.constant 0 : i32
      %dma_wait3A_57 = arith.constant 0 : i32
      %dma_wait3A_58 = tpu.memref_slice %arg3[%arg0, %arg1, %dma_wait3A_56, %dma_wait3A_57] : memref<2x16x80x128xi32, #tpu.memory_space<hbm>> -> memref<1x1x80x128xi32, #tpu.memory_space<hbm>>
      %dma_wait3A_59 = tpu.memref_squeeze %dma_wait3A_58 : memref<1x1x80x128xi32, #tpu.memory_space<hbm>> -> memref<80x128xi32, #tpu.memory_space<hbm>>
      tpu.wait_dma2 semaphore(%run_scoped3A : memref<!tpu.dma_semaphore, #tpu.memory_space<semaphore_mem>>) src(%dma_wait3A_59 : memref<80x128xi32, #tpu.memory_space<hbm>>) dst(%arg6 : memref<80x128xi32, #tpu.memory_space<vmem>>)
      tpu.yield
    }) : () -> ()
    "tpu.region"() ({
      %run_scoped3A = tpu.sem_alloc : memref<!tpu.dma_semaphore, #tpu.memory_space<semaphore_mem>>
      %dma_start3A_45 = arith.constant 0 : i32
      %dma_start3A_46 = arith.constant 0 : i32
      %dma_start3A_47 = tpu.memref_slice %arg4[%arg0, %arg1, %dma_start3A_45, %dma_start3A_46] : memref<2x16x80x128xi32, #tpu.memory_space<hbm>> -> memref<1x1x80x128xi32, #tpu.memory_space<hbm>>
      %dma_start3A_48 = tpu.memref_squeeze %dma_start3A_47 : memref<1x1x80x128xi32, #tpu.memory_space<hbm>> -> memref<80x128xi32, #tpu.memory_space<hbm>>
      %dma_start3A_49 = arith.constant 0 : i32
      %dma_start3A_50 = arith.constant 0 : i32
      %dma_start3A_51 = tpu.memref_slice %arg4[%arg0, %arg1, %dma_start3A_49, %dma_start3A_50] : memref<2x16x80x128xi32, #tpu.memory_space<hbm>> -> memref<1x1x80x128xi32, #tpu.memory_space<hbm>>
      %dma_start3A_52 = tpu.memref_squeeze %dma_start3A_51 : memref<1x1x80x128xi32, #tpu.memory_space<hbm>> -> memref<80x128xi32, #tpu.memory_space<hbm>>
      tpu.enqueue_dma source(%dma_start3A_52 : memref<80x128xi32, #tpu.memory_space<hbm>>) target(%arg7 : memref<80x128xi32, #tpu.memory_space<vmem>>) target_semaphore(%run_scoped3A : memref<!tpu.dma_semaphore, #tpu.memory_space<semaphore_mem>>)
      %dma_wait3A = arith.constant 0 : i32
      %dma_wait3A_53 = arith.constant 0 : i32
      %dma_wait3A_54 = tpu.memref_slice %arg4[%arg0, %arg1, %dma_wait3A, %dma_wait3A_53] : memref<2x16x80x128xi32, #tpu.memory_space<hbm>> -> memref<1x1x80x128xi32, #tpu.memory_space<hbm>>
      %dma_wait3A_55 = tpu.memref_squeeze %dma_wait3A_54 : memref<1x1x80x128xi32, #tpu.memory_space<hbm>> -> memref<80x128xi32, #tpu.memory_space<hbm>>
      %dma_wait3A_56 = arith.constant 0 : i32
      %dma_wait3A_57 = arith.constant 0 : i32
      %dma_wait3A_58 = tpu.memref_slice %arg4[%arg0, %arg1, %dma_wait3A_56, %dma_wait3A_57] : memref<2x16x80x128xi32, #tpu.memory_space<hbm>> -> memref<1x1x80x128xi32, #tpu.memory_space<hbm>>
      %dma_wait3A_59 = tpu.memref_squeeze %dma_wait3A_58 : memref<1x1x80x128xi32, #tpu.memory_space<hbm>> -> memref<80x128xi32, #tpu.memory_space<hbm>>
      tpu.wait_dma2 semaphore(%run_scoped3A : memref<!tpu.dma_semaphore, #tpu.memory_space<semaphore_mem>>) src(%dma_wait3A_59 : memref<80x128xi32, #tpu.memory_space<hbm>>) dst(%arg7 : memref<80x128xi32, #tpu.memory_space<vmem>>)
      tpu.yield
    }) : () -> ()
    %barrier3A = arith.constant 0 : index
    tpu.barrier barrier_id(%barrier3A)
    %dma_start3A = arith.constant 0 : i32
    %dma_start3A_25 = arith.constant 0 : i32
    %dma_start3A_26 = tpu.memref_slice %arg6[%dma_start3A, %dma_start3A_25] : memref<80x128xi32, #tpu.memory_space<vmem>> -> memref<1x128xi32, #tpu.memory_space<vmem>>
    %dma_start3A_27 = tpu.memref_squeeze %dma_start3A_26 : memref<1x128xi32, #tpu.memory_space<vmem>> -> memref<128xi32, #tpu.memory_space<vmem>>
    %dma_start3A_28 = arith.constant 0 : i32
    %dma_start3A_29 = arith.constant 0 : i32
    %dma_start3A_30 = tpu.memref_slice %arg2[%dma_start3A_28, %dma_start3A_29] : memref<10240x16xf32, #tpu.memory_space<hbm>> -> memref<10240x16xf32, #tpu.memory_space<hbm>>
    tpu.enqueue_indirect_dma source(%dma_start3A_30 : memref<10240x16xf32, #tpu.memory_space<hbm>>) target(%arg8 : memref<128x16xf32, #tpu.memory_space<vmem>>) offsets(%dma_start3A_27 : memref<128xi32, #tpu.memory_space<vmem>>) semaphore(%arg11 : memref<!tpu.dma_semaphore, #tpu.memory_space<semaphore_mem>>)
    %dma_start3A_31 = arith.constant 1 : i32
    %dma_start3A_32 = arith.constant 0 : i32
    %dma_start3A_33 = tpu.memref_slice %arg6[%dma_start3A_31, %dma_start3A_32] : memref<80x128xi32, #tpu.memory_space<vmem>> -> memref<1x128xi32, #tpu.memory_space<vmem>>
    %dma_start3A_34 = tpu.memref_squeeze %dma_start3A_33 : memref<1x128xi32, #tpu.memory_space<vmem>> -> memref<128xi32, #tpu.memory_space<vmem>>
    %dma_start3A_35 = arith.constant 0 : i32
    %dma_start3A_36 = arith.constant 0 : i32
    %dma_start3A_37 = tpu.memref_slice %arg2[%dma_start3A_35, %dma_start3A_36] : memref<10240x16xf32, #tpu.memory_space<hbm>> -> memref<10240x16xf32, #tpu.memory_space<hbm>>
    tpu.enqueue_indirect_dma source(%dma_start3A_37 : memref<10240x16xf32, #tpu.memory_space<hbm>>) target(%arg9 : memref<128x16xf32, #tpu.memory_space<vmem>>) offsets(%dma_start3A_34 : memref<128xi32, #tpu.memory_space<vmem>>) semaphore(%arg12 : memref<!tpu.dma_semaphore, #tpu.memory_space<semaphore_mem>>)
    %scan3A_38 = arith.constant 0 : i32
    %scan3A_39 = arith.constant 0 : i32
    %scan3A_40 = arith.constant 40 : i32
    %scan3A_41 = arith.addi %scan3A_39, %scan3A_40 : i32
    %scan3A_42 = arith.constant 1 : i32
    scf.for %scan3A_45 = %scan3A_39 to %scan3A_41 step %scan3A_42  : i32 {
      %mul3A_46 = arith.constant 2 : i32
      %mul3A_47 = arith.muli %scan3A_45, %mul3A_46 : i32
      %add3A_48 = arith.constant 0 : i32
      %add3A_49 = arith.addi %mul3A_47, %add3A_48 : i32
      %dma_wait3A = arith.constant 0 : i32
      %dma_wait3A_50 = tpu.memref_slice %arg6[%add3A_49, %dma_wait3A] : memref<80x128xi32, #tpu.memory_space<vmem>> -> memref<1x128xi32, #tpu.memory_space<vmem>>
      %dma_wait3A_51 = tpu.memref_squeeze %dma_wait3A_50 : memref<1x128xi32, #tpu.memory_space<vmem>> -> memref<128xi32, #tpu.memory_space<vmem>>
      %dma_wait3A_52 = arith.constant 0 : i32
      %dma_wait3A_53 = arith.constant 0 : i32
      %dma_wait3A_54 = tpu.memref_slice %arg2[%dma_wait3A_52, %dma_wait3A_53] : memref<10240x16xf32, #tpu.memory_space<hbm>> -> memref<10240x16xf32, #tpu.memory_space<hbm>>
      tpu.wait_indirect_dma semaphore(%arg11 : memref<!tpu.dma_semaphore, #tpu.memory_space<semaphore_mem>>) src(%dma_wait3A_54 : memref<10240x16xf32, #tpu.memory_space<hbm>>) dst(%arg8 : memref<128x16xf32, #tpu.memory_space<vmem>>)
      "tpu.region"() ({
        %run_scoped3A = tpu.sem_alloc : memref<!tpu.dma_semaphore, #tpu.memory_space<semaphore_mem>>
        %dma_start3A_76 = arith.constant 0 : i32
        %dma_start3A_77 = tpu.memref_slice %arg7[%add3A_49, %dma_start3A_76] : memref<80x128xi32, #tpu.memory_space<vmem>> -> memref<1x128xi32, #tpu.memory_space<vmem>>
        %dma_start3A_78 = tpu.memref_squeeze %dma_start3A_77 : memref<1x128xi32, #tpu.memory_space<vmem>> -> memref<128xi32, #tpu.memory_space<vmem>>
        %dma_start3A_79 = arith.constant 0 : i32
        %dma_start3A_80 = arith.constant 0 : i32
        %dma_start3A_81 = tpu.memref_slice %arg13[%dma_start3A_79, %dma_start3A_80] : memref<10240x16xf32, #tpu.memory_space<vmem_shared>> -> memref<10240x16xf32, #tpu.memory_space<vmem_shared>>
        tpu.enqueue_indirect_dma source(%arg8 : memref<128x16xf32, #tpu.memory_space<vmem>>) target(%dma_start3A_81 : memref<10240x16xf32, #tpu.memory_space<vmem_shared>>) offsets(%dma_start3A_78 : memref<128xi32, #tpu.memory_space<vmem>>) semaphore(%run_scoped3A : memref<!tpu.dma_semaphore, #tpu.memory_space<semaphore_mem>>) {add = true}
        %dma_wait3A_82 = arith.constant 0 : i32
        %dma_wait3A_83 = tpu.memref_slice %arg7[%add3A_49, %dma_wait3A_82] : memref<80x128xi32, #tpu.memory_space<vmem>> -> memref<1x128xi32, #tpu.memory_space<vmem>>
        %dma_wait3A_84 = tpu.memref_squeeze %dma_wait3A_83 : memref<1x128xi32, #tpu.memory_space<vmem>> -> memref<128xi32, #tpu.memory_space<vmem>>
        %dma_wait3A_85 = arith.constant 0 : i32
        %dma_wait3A_86 = arith.constant 0 : i32
        %dma_wait3A_87 = tpu.memref_slice %arg13[%dma_wait3A_85, %dma_wait3A_86] : memref<10240x16xf32, #tpu.memory_space<vmem_shared>> -> memref<10240x16xf32, #tpu.memory_space<vmem_shared>>
        tpu.wait_indirect_dma semaphore(%run_scoped3A : memref<!tpu.dma_semaphore, #tpu.memory_space<semaphore_mem>>) src(%arg8 : memref<128x16xf32, #tpu.memory_space<vmem>>) dst(%dma_wait3A_87 : memref<10240x16xf32, #tpu.memory_space<vmem_shared>>)
        tpu.yield
      }) : () -> ()
      %add3A_55 = arith.constant 2 : i32
      %add3A_56 = arith.addi %add3A_49, %add3A_55 : i32
      %lt3A = arith.constant 80 : i32
      %lt3A_57 = arith.cmpi slt, %add3A_56, %lt3A : i32
      %convert_element_type3A = arith.extui %lt3A_57 : i1 to i32
      %cond3A = arith.constant 0 : i32
      %cond3A_58 = arith.cmpi ne, %convert_element_type3A, %cond3A : i32
      scf.if %cond3A_58 {
        %add3A_76 = arith.constant 2 : i32
        %add3A_77 = arith.addi %add3A_49, %add3A_76 : i32
        %dma_start3A_78 = arith.constant 0 : i32
        %dma_start3A_79 = tpu.memref_slice %arg6[%add3A_77, %dma_start3A_78] : memref<80x128xi32, #tpu.memory_space<vmem>> -> memref<1x128xi32, #tpu.memory_space<vmem>>
        %dma_start3A_80 = tpu.memref_squeeze %dma_start3A_79 : memref<1x128xi32, #tpu.memory_space<vmem>> -> memref<128xi32, #tpu.memory_space<vmem>>
        %dma_start3A_81 = arith.constant 0 : i32
        %dma_start3A_82 = arith.constant 0 : i32
        %dma_start3A_83 = tpu.memref_slice %arg2[%dma_start3A_81, %dma_start3A_82] : memref<10240x16xf32, #tpu.memory_space<hbm>> -> memref<10240x16xf32, #tpu.memory_space<hbm>>
        tpu.enqueue_indirect_dma source(%dma_start3A_83 : memref<10240x16xf32, #tpu.memory_space<hbm>>) target(%arg8 : memref<128x16xf32, #tpu.memory_space<vmem>>) offsets(%dma_start3A_80 : memref<128xi32, #tpu.memory_space<vmem>>) semaphore(%arg11 : memref<!tpu.dma_semaphore, #tpu.memory_space<semaphore_mem>>)
      } else {
      }
      %mul3A_59 = arith.constant 2 : i32
      %mul3A_60 = arith.muli %scan3A_45, %mul3A_59 : i32
      %add3A_61 = arith.constant 1 : i32
      %add3A_62 = arith.addi %mul3A_60, %add3A_61 : i32
      %dma_wait3A_63 = arith.constant 0 : i32
      %dma_wait3A_64 = tpu.memref_slice %arg6[%add3A_62, %dma_wait3A_63] : memref<80x128xi32, #tpu.memory_space<vmem>> -> memref<1x128xi32, #tpu.memory_space<vmem>>
      %dma_wait3A_65 = tpu.memref_squeeze %dma_wait3A_64 : memref<1x128xi32, #tpu.memory_space<vmem>> -> memref<128xi32, #tpu.memory_space<vmem>>
      %dma_wait3A_66 = arith.constant 0 : i32
      %dma_wait3A_67 = arith.constant 0 : i32
      %dma_wait3A_68 = tpu.memref_slice %arg2[%dma_wait3A_66, %dma_wait3A_67] : memref<10240x16xf32, #tpu.memory_space<hbm>> -> memref<10240x16xf32, #tpu.memory_space<hbm>>
      tpu.wait_indirect_dma semaphore(%arg12 : memref<!tpu.dma_semaphore, #tpu.memory_space<semaphore_mem>>) src(%dma_wait3A_68 : memref<10240x16xf32, #tpu.memory_space<hbm>>) dst(%arg9 : memref<128x16xf32, #tpu.memory_space<vmem>>)
      "tpu.region"() ({
        %run_scoped3A = tpu.sem_alloc : memref<!tpu.dma_semaphore, #tpu.memory_space<semaphore_mem>>
        %dma_start3A_76 = arith.constant 0 : i32
        %dma_start3A_77 = tpu.memref_slice %arg7[%add3A_62, %dma_start3A_76] : memref<80x128xi32, #tpu.memory_space<vmem>> -> memref<1x128xi32, #tpu.memory_space<vmem>>
        %dma_start3A_78 = tpu.memref_squeeze %dma_start3A_77 : memref<1x128xi32, #tpu.memory_space<vmem>> -> memref<128xi32, #tpu.memory_space<vmem>>
        %dma_start3A_79 = arith.constant 0 : i32
        %dma_start3A_80 = arith.constant 0 : i32
        %dma_start3A_81 = tpu.memref_slice %arg13[%dma_start3A_79, %dma_start3A_80] : memref<10240x16xf32, #tpu.memory_space<vmem_shared>> -> memref<10240x16xf32, #tpu.memory_space<vmem_shared>>
        tpu.enqueue_indirect_dma source(%arg9 : memref<128x16xf32, #tpu.memory_space<vmem>>) target(%dma_start3A_81 : memref<10240x16xf32, #tpu.memory_space<vmem_shared>>) offsets(%dma_start3A_78 : memref<128xi32, #tpu.memory_space<vmem>>) semaphore(%run_scoped3A : memref<!tpu.dma_semaphore, #tpu.memory_space<semaphore_mem>>) {add = true}
        %dma_wait3A_82 = arith.constant 0 : i32
        %dma_wait3A_83 = tpu.memref_slice %arg7[%add3A_62, %dma_wait3A_82] : memref<80x128xi32, #tpu.memory_space<vmem>> -> memref<1x128xi32, #tpu.memory_space<vmem>>
        %dma_wait3A_84 = tpu.memref_squeeze %dma_wait3A_83 : memref<1x128xi32, #tpu.memory_space<vmem>> -> memref<128xi32, #tpu.memory_space<vmem>>
        %dma_wait3A_85 = arith.constant 0 : i32
        %dma_wait3A_86 = arith.constant 0 : i32
        %dma_wait3A_87 = tpu.memref_slice %arg13[%dma_wait3A_85, %dma_wait3A_86] : memref<10240x16xf32, #tpu.memory_space<vmem_shared>> -> memref<10240x16xf32, #tpu.memory_space<vmem_shared>>
        tpu.wait_indirect_dma semaphore(%run_scoped3A : memref<!tpu.dma_semaphore, #tpu.memory_space<semaphore_mem>>) src(%arg9 : memref<128x16xf32, #tpu.memory_space<vmem>>) dst(%dma_wait3A_87 : memref<10240x16xf32, #tpu.memory_space<vmem_shared>>)
        tpu.yield
      }) : () -> ()
      %add3A_69 = arith.constant 2 : i32
      %add3A_70 = arith.addi %add3A_62, %add3A_69 : i32
      %lt3A_71 = arith.constant 80 : i32
      %lt3A_72 = arith.cmpi slt, %add3A_70, %lt3A_71 : i32
      %convert_element_type3A_73 = arith.extui %lt3A_72 : i1 to i32
      %cond3A_74 = arith.constant 0 : i32
      %cond3A_75 = arith.cmpi ne, %convert_element_type3A_73, %cond3A_74 : i32
      scf.if %cond3A_75 {
        %add3A_76 = arith.constant 2 : i32
        %add3A_77 = arith.addi %add3A_62, %add3A_76 : i32
        %dma_start3A_78 = arith.constant 0 : i32
        %dma_start3A_79 = tpu.memref_slice %arg6[%add3A_77, %dma_start3A_78] : memref<80x128xi32, #tpu.memory_space<vmem>> -> memref<1x128xi32, #tpu.memory_space<vmem>>
        %dma_start3A_80 = tpu.memref_squeeze %dma_start3A_79 : memref<1x128xi32, #tpu.memory_space<vmem>> -> memref<128xi32, #tpu.memory_space<vmem>>
        %dma_start3A_81 = arith.constant 0 : i32
        %dma_start3A_82 = arith.constant 0 : i32
        %dma_start3A_83 = tpu.memref_slice %arg2[%dma_start3A_81, %dma_start3A_82] : memref<10240x16xf32, #tpu.memory_space<hbm>> -> memref<10240x16xf32, #tpu.memory_space<hbm>>
        tpu.enqueue_indirect_dma source(%dma_start3A_83 : memref<10240x16xf32, #tpu.memory_space<hbm>>) target(%arg9 : memref<128x16xf32, #tpu.memory_space<vmem>>) offsets(%dma_start3A_80 : memref<128xi32, #tpu.memory_space<vmem>>) semaphore(%arg12 : memref<!tpu.dma_semaphore, #tpu.memory_space<semaphore_mem>>)
      } else {
      }
    }
    %scan3A_43 = arith.constant 40 : i32
    %barrier3A_44 = arith.constant 0 : index
    tpu.barrier barrier_id(%barrier3A_44)
    "tpu.region"() ({
      %run_scoped3A = tpu.sem_alloc : memref<!tpu.dma_semaphore, #tpu.memory_space<semaphore_mem>>
      %dma_start3A_45 = arith.constant 0 : i32
      %dma_start3A_46 = tpu.memref_slice %arg5[%arg0, %mul3A_0, %dma_start3A_45] : memref<2x10240x16xf32, #tpu.memory_space<hbm>> -> memref<1x640x16xf32, #tpu.memory_space<hbm>>
      %dma_start3A_47 = tpu.memref_squeeze %dma_start3A_46 : memref<1x640x16xf32, #tpu.memory_space<hbm>> -> memref<640x16xf32, #tpu.memory_space<hbm>>
      %dma_start3A_48 = arith.constant 0 : i32
      %dma_start3A_49 = tpu.memref_slice %arg13[%mul3A_0, %dma_start3A_48] : memref<10240x16xf32, #tpu.memory_space<vmem_shared>> -> memref<640x16xf32, #tpu.memory_space<vmem_shared>>
      tpu.enqueue_dma source(%dma_start3A_49 : memref<640x16xf32, #tpu.memory_space<vmem_shared>>) target(%dma_start3A_47 : memref<640x16xf32, #tpu.memory_space<hbm>>) target_semaphore(%run_scoped3A : memref<!tpu.dma_semaphore, #tpu.memory_space<semaphore_mem>>)
      %dma_wait3A = arith.constant 0 : i32
      %dma_wait3A_50 = tpu.memref_slice %arg5[%arg0, %mul3A_0, %dma_wait3A] : memref<2x10240x16xf32, #tpu.memory_space<hbm>> -> memref<1x640x16xf32, #tpu.memory_space<hbm>>
      %dma_wait3A_51 = tpu.memref_squeeze %dma_wait3A_50 : memref<1x640x16xf32, #tpu.memory_space<hbm>> -> memref<640x16xf32, #tpu.memory_space<hbm>>
      %dma_wait3A_52 = arith.constant 0 : i32
      %dma_wait3A_53 = tpu.memref_slice %arg13[%mul3A_0, %dma_wait3A_52] : memref<10240x16xf32, #tpu.memory_space<vmem_shared>> -> memref<640x16xf32, #tpu.memory_space<vmem_shared>>
      tpu.wait_dma2 semaphore(%run_scoped3A : memref<!tpu.dma_semaphore, #tpu.memory_space<semaphore_mem>>) src(%dma_wait3A_53 : memref<640x16xf32, #tpu.memory_space<vmem_shared>>) dst(%dma_wait3A_51 : memref<640x16xf32, #tpu.memory_space<hbm>>)
      tpu.yield
    }) : () -> ()
    return
  }
}

module attributes {stable_mosaic.version = 14 : i64} {
  func.func @_mm1_body(%arg0: i32, %arg1: memref<2048x128xf32, #tpu.memory_space<vmem>>, %arg2: memref<128x64xf32, #tpu.memory_space<vmem>>, %arg3: memref<2048x64xf32, #tpu.memory_space<vmem>>, %arg4: memref<2048x64xbf16, #tpu.memory_space<vmem>>) attributes {dimension_semantics = [#tpu.dimension_semantics<arbitrary>], iteration_bounds = array<i64: 5>, scalar_prefetch = 0 : i64, scratch_operands = 0 : i64, tpu.core_type = #tpu.core_type<tc>, window_params = [{transform_indices = @transform_0, window_bounds = array<i64: 2048, 128>}, {pipeline_mode = #tpu.pipeline_mode<synchronous>, transform_indices = @transform_1, window_bounds = array<i64: 128, 64>}, {transform_indices = @transform_2, window_bounds = array<i64: 2048, 64>}, {transform_indices = @transform_3, window_bounds = array<i64: 2048, 64>}]} {
    %get3A = arith.constant 0 : index
    %get3A_0 = arith.constant 0 : index
    %get3A_1 = vector.load %arg1[%get3A, %get3A_0] : memref<2048x128xf32, #tpu.memory_space<vmem>>, vector<2048x128xf32>
    %get3A_2 = arith.constant 0 : index
    %get3A_3 = arith.constant 0 : index
    %get3A_4 = vector.load %arg2[%get3A_2, %get3A_3] : memref<128x64xf32, #tpu.memory_space<vmem>>, vector<128x64xf32>
    %dot_general3A = arith.constant dense<0.000000e+00> : vector<2048x64xf32>
    %dot_general3A_5 = tpu.matmul %get3A_1, %get3A_4, %dot_general3A {dimension_numbers = #tpu.dot_dimension_numbers<[1], [0], [0], [1], [0, 0, 1, 1], [], []>, transpose_lhs_hint = false} : vector<2048x128xf32>, vector<128x64xf32>, vector<2048x64xf32> -> vector<2048x64xf32>
    %swap3A = arith.constant 0 : index
    %swap3A_6 = arith.constant 0 : index
    %swap3A_7 = vector.load %arg3[%swap3A, %swap3A_6] : memref<2048x64xf32, #tpu.memory_space<vmem>>, vector<2048x64xf32>
    tpu.vector_store %arg3[%swap3A, %swap3A_6], %dot_general3A_5 {strides = array<i32>} : memref<2048x64xf32, #tpu.memory_space<vmem>>, vector<2048x64xf32>,
    %convert_element_type3A = arith.truncf %dot_general3A_5 : vector<2048x64xf32> to vector<2048x64xbf16>
    %swap3A_8 = arith.constant 0 : index
    %swap3A_9 = arith.constant 0 : index
    %swap3A_10 = vector.load %arg4[%swap3A_8, %swap3A_9] : memref<2048x64xbf16, #tpu.memory_space<vmem>>, vector<2048x64xbf16>
    tpu.vector_store %arg4[%swap3A_8, %swap3A_9], %convert_element_type3A {strides = array<i32>} : memref<2048x64xbf16, #tpu.memory_space<vmem>>, vector<2048x64xbf16>,
    return
  }
  func.func @transform_0(%arg0: i32) -> (i32, i32) {
    %c0_i32 = arith.constant 0 : i32
    %c0_i32_0 = arith.constant 0 : i32
    return %arg0, %c0_i32 : i32, i32
  }
  func.func @transform_1(%arg0: i32) -> (i32, i32) {
    %c0_i32 = arith.constant 0 : i32
    %c0_i32_0 = arith.constant 0 : i32
    %c0_i32_1 = arith.constant 0 : i32
    return %c0_i32, %c0_i32_0 : i32, i32
  }
  func.func @transform_2(%arg0: i32) -> (i32, i32) {
    %c0_i32 = arith.constant 0 : i32
    %c0_i32_0 = arith.constant 0 : i32
    return %arg0, %c0_i32 : i32, i32
  }
  func.func @transform_3(%arg0: i32) -> (i32, i32) {
    %c0_i32 = arith.constant 0 : i32
    %c0_i32_0 = arith.constant 0 : i32
    return %arg0, %c0_i32 : i32, i32
  }
}

module attributes {stable_mosaic.version = 14 : i64} {
  func.func @_mid_body(%arg0: i32, %arg1: memref<2048x64xf32, #tpu.memory_space<vmem>>, %arg2: memref<1x2048x64xbf16, #tpu.memory_space<vmem>>, %arg3: memref<1x2048x64xbf16, #tpu.memory_space<vmem>>, %arg4: memref<1x1x2048xf32, #tpu.memory_space<vmem>>, %arg5: memref<1x1x2048xf32, #tpu.memory_space<vmem>>, %arg6: memref<1x64xf32, #tpu.memory_space<vmem>>, %arg7: memref<64x16xf32, #tpu.memory_space<vmem>>, %arg8: memref<2048x16xf32, #tpu.memory_space<vmem>>, %arg9: memref<2048x16xf32, #tpu.memory_space<vmem>>) attributes {dimension_semantics = [#tpu.dimension_semantics<arbitrary>], iteration_bounds = array<i64: 5>, scalar_prefetch = 0 : i64, scratch_operands = 0 : i64, tpu.core_type = #tpu.core_type<tc>, window_params = [{transform_indices = @transform_0, window_bounds = array<i64: 2048, 64>}, {transform_indices = @transform_1, window_bounds = array<i64: 1, 2048, 64>}, {transform_indices = @transform_2, window_bounds = array<i64: 1, 2048, 64>}, {transform_indices = @transform_3, window_bounds = array<i64: 1, 1, 2048>}, {transform_indices = @transform_4, window_bounds = array<i64: 1, 1, 2048>}, {pipeline_mode = #tpu.pipeline_mode<synchronous>, transform_indices = @transform_5, window_bounds = array<i64: 1, 64>}, {pipeline_mode = #tpu.pipeline_mode<synchronous>, transform_indices = @transform_6, window_bounds = array<i64: 64, 16>}, {transform_indices = @transform_7, window_bounds = array<i64: 2048, 16>}, {transform_indices = @transform_8, window_bounds = array<i64: 2048, 16>}]} {
    %get3A = arith.constant 0 : index
    %get3A_0 = arith.constant 0 : index
    %get3A_1 = arith.constant 0 : index
    %get3A_2 = vector.load %arg4[%get3A, %get3A_0, %get3A_1] : memref<1x1x2048xf32, #tpu.memory_space<vmem>>, vector<1x1x2048xf32>
    %get3A_3 = vector.shape_cast %get3A_2 : vector<1x1x2048xf32> to vector<1x2048xf32>
    %get3A_4 = arith.constant 0 : index
    %get3A_5 = arith.constant 0 : index
    %get3A_6 = arith.constant 0 : index
    %get3A_7 = vector.load %arg5[%get3A_4, %get3A_5, %get3A_6] : memref<1x1x2048xf32, #tpu.memory_space<vmem>>, vector<1x1x2048xf32>
    %get3A_8 = vector.shape_cast %get3A_7 : vector<1x1x2048xf32> to vector<1x2048xf32>
    %add3A = arith.addf %get3A_3, %get3A_8 : vector<1x2048xf32>
    %transpose3A = tpu.transpose %add3A, [1, 0] : vector<1x2048xf32> -> vector<2048x1xf32>
    %gt3A = arith.constant 0.000000e+00 : f32
    %gt3A_9 = vector.broadcast %gt3A : f32 to vector<2048x1xf32>
    %gt3A_10 = arith.cmpf ogt, %transpose3A, %gt3A_9 : vector<2048x1xf32>
    %max3A = arith.constant 1.000000e+00 : f32
    %max3A_11 = vector.broadcast %max3A : f32 to vector<2048x1xf32>
    %max3A_12 = arith.maximumf %transpose3A, %max3A_11 : vector<2048x1xf32>
    %div3A = arith.constant 1.000000e+00 : f32
    %div3A_13 = vector.broadcast %div3A : f32 to vector<2048x1xf32>
    %div3A_14 = arith.divf %div3A_13, %max3A_12 : vector<2048x1xf32>
    %jit3A = arith.constant 0.000000e+00 : f32
    %broadcast_in_dim3A = vector.broadcast %jit3A : f32 to vector<2048x1xf32>
    %select_n3A = arith.select %gt3A_10, %div3A_14, %broadcast_in_dim3A : vector<2048x1xi1>, vector<2048x1xf32>
    %get3A_15 = arith.constant 0 : index
    %get3A_16 = arith.constant 0 : index
    %get3A_17 = arith.constant 0 : index
    %get3A_18 = vector.load %arg2[%get3A_15, %get3A_16, %get3A_17] : memref<1x2048x64xbf16, #tpu.memory_space<vmem>>, vector<1x2048x64xbf16>
    %get3A_19 = vector.shape_cast %get3A_18 : vector<1x2048x64xbf16> to vector<2048x64xbf16>
    %convert_element_type3A = arith.extf %get3A_19 : vector<2048x64xbf16> to vector<2048x64xf32>
    %get3A_20 = arith.constant 0 : index
    %get3A_21 = arith.constant 0 : index
    %get3A_22 = arith.constant 0 : index
    %get3A_23 = vector.load %arg3[%get3A_20, %get3A_21, %get3A_22] : memref<1x2048x64xbf16, #tpu.memory_space<vmem>>, vector<1x2048x64xbf16>
    %get3A_24 = vector.shape_cast %get3A_23 : vector<1x2048x64xbf16> to vector<2048x64xbf16>
    %convert_element_type3A_25 = arith.extf %get3A_24 : vector<2048x64xbf16> to vector<2048x64xf32>
    %add3A_26 = arith.addf %convert_element_type3A, %convert_element_type3A_25 : vector<2048x64xf32>
    %mul3A = vector.broadcast %select_n3A : vector<2048x1xf32> to vector<2048x64xf32>
    %mul3A_27 = arith.mulf %add3A_26, %mul3A : vector<2048x64xf32>
    %get3A_28 = arith.constant 0 : index
    %get3A_29 = arith.constant 0 : index
    %get3A_30 = vector.load %arg1[%get3A_28, %get3A_29] : memref<2048x64xf32, #tpu.memory_space<vmem>>, vector<2048x64xf32>
    %mul3A_31 = arith.constant 5.000000e-01 : f32
    %mul3A_32 = vector.broadcast %mul3A_31 : f32 to vector<2048x64xf32>
    %mul3A_33 = arith.mulf %mul3A_32, %get3A_30 : vector<2048x64xf32>
    %mul3A_34 = arith.constant 5.000000e-01 : f32
    %mul3A_35 = vector.broadcast %mul3A_34 : f32 to vector<2048x64xf32>
    %mul3A_36 = arith.mulf %mul3A_35, %mul3A_27 : vector<2048x64xf32>
    %add3A_37 = arith.addf %mul3A_33, %mul3A_36 : vector<2048x64xf32>
    %get3A_38 = arith.constant 0 : index
    %get3A_39 = arith.constant 0 : index
    %get3A_40 = vector.load %arg6[%get3A_38, %get3A_39] : memref<1x64xf32, #tpu.memory_space<vmem>>, vector<1x64xf32>
    %add3A_41 = vector.broadcast %get3A_40 : vector<1x64xf32> to vector<2048x64xf32>
    %add3A_42 = arith.addf %add3A_37, %add3A_41 : vector<2048x64xf32>
    %max3A_43 = arith.constant 0.000000e+00 : f32
    %max3A_44 = vector.broadcast %max3A_43 : f32 to vector<2048x64xf32>
    %max3A_45 = arith.maximumf %add3A_42, %max3A_44 : vector<2048x64xf32>
    %get3A_46 = arith.constant 0 : index
    %get3A_47 = arith.constant 0 : index
    %get3A_48 = vector.load %arg7[%get3A_46, %get3A_47] : memref<64x16xf32, #tpu.memory_space<vmem>>, vector<64x16xf32>
    %dot_general3A = arith.constant dense<0.000000e+00> : vector<2048x16xf32>
    %dot_general3A_49 = tpu.matmul %max3A_45, %get3A_48, %dot_general3A {dimension_numbers = #tpu.dot_dimension_numbers<[1], [0], [0], [1], [0, 0, 1, 1], [], []>, transpose_lhs_hint = false} : vector<2048x64xf32>, vector<64x16xf32>, vector<2048x16xf32> -> vector<2048x16xf32>
    %swap3A = arith.constant 0 : index
    %swap3A_50 = arith.constant 0 : index
    %swap3A_51 = vector.load %arg8[%swap3A, %swap3A_50] : memref<2048x16xf32, #tpu.memory_space<vmem>>, vector<2048x16xf32>
    tpu.vector_store %arg8[%swap3A, %swap3A_50], %dot_general3A_49 {strides = array<i32>} : memref<2048x16xf32, #tpu.memory_space<vmem>>, vector<2048x16xf32>,
    %broadcast_in_dim3A_52 = vector.shape_cast %select_n3A : vector<2048x1xf32> to vector<2048x1xf32>
    %broadcast_in_dim3A_53 = vector.broadcast %broadcast_in_dim3A_52 : vector<2048x1xf32> to vector<2048x16xf32>
    %swap3A_54 = arith.constant 0 : index
    %swap3A_55 = arith.constant 0 : index
    %swap3A_56 = vector.load %arg9[%swap3A_54, %swap3A_55] : memref<2048x16xf32, #tpu.memory_space<vmem>>, vector<2048x16xf32>
    tpu.vector_store %arg9[%swap3A_54, %swap3A_55], %broadcast_in_dim3A_53 {strides = array<i32>} : memref<2048x16xf32, #tpu.memory_space<vmem>>, vector<2048x16xf32>,
    return
  }
  func.func @transform_0(%arg0: i32) -> (i32, i32) {
    %c0_i32 = arith.constant 0 : i32
    %c0_i32_0 = arith.constant 0 : i32
    return %arg0, %c0_i32 : i32, i32
  }
  func.func @transform_1(%arg0: i32) -> (i32, i32, i32) {
    %c0_i32 = arith.constant 0 : i32
    %c0_i32_0 = arith.constant 0 : i32
    %c0_i32_1 = arith.constant 0 : i32
    return %c0_i32, %arg0, %c0_i32_0 : i32, i32, i32
  }
  func.func @transform_2(%arg0: i32) -> (i32, i32, i32) {
    %c1_i32 = arith.constant 1 : i32
    %c0_i32 = arith.constant 0 : i32
    %c0_i32_0 = arith.constant 0 : i32
    return %c1_i32, %arg0, %c0_i32 : i32, i32, i32
  }
  func.func @transform_3(%arg0: i32) -> (i32, i32, i32) {
    %c0_i32 = arith.constant 0 : i32
    %c0_i32_0 = arith.constant 0 : i32
    %c0_i32_1 = arith.constant 0 : i32
    return %c0_i32, %c0_i32_0, %arg0 : i32, i32, i32
  }
  func.func @transform_4(%arg0: i32) -> (i32, i32, i32) {
    %c1_i32 = arith.constant 1 : i32
    %c0_i32 = arith.constant 0 : i32
    %c0_i32_0 = arith.constant 0 : i32
    return %c1_i32, %c0_i32, %arg0 : i32, i32, i32
  }
  func.func @transform_5(%arg0: i32) -> (i32, i32) {
    %c0_i32 = arith.constant 0 : i32
    %c0_i32_0 = arith.constant 0 : i32
    %c0_i32_1 = arith.constant 0 : i32
    return %c0_i32, %c0_i32_0 : i32, i32
  }
  func.func @transform_6(%arg0: i32) -> (i32, i32) {
    %c0_i32 = arith.constant 0 : i32
    %c0_i32_0 = arith.constant 0 : i32
    %c0_i32_1 = arith.constant 0 : i32
    return %c0_i32, %c0_i32_0 : i32, i32
  }
  func.func @transform_7(%arg0: i32) -> (i32, i32) {
    %c0_i32 = arith.constant 0 : i32
    %c0_i32_0 = arith.constant 0 : i32
    return %arg0, %c0_i32 : i32, i32
  }
  func.func @transform_8(%arg0: i32) -> (i32, i32) {
    %c0_i32 = arith.constant 0 : i32
    %c0_i32_0 = arith.constant 0 : i32
    return %arg0, %c0_i32 : i32, i32
  }
}

module attributes {stable_mosaic.version = 14 : i64} {
  func.func @_fin_body(%arg0: i32, %arg1: memref<2000x16xf32, #tpu.memory_space<vmem>>, %arg2: memref<1x2000x16xf32, #tpu.memory_space<vmem>>, %arg3: memref<1x2000x16xf32, #tpu.memory_space<vmem>>, %arg4: memref<2000x16xf32, #tpu.memory_space<vmem>>, %arg5: memref<1x16xf32, #tpu.memory_space<vmem>>, %arg6: memref<2000x16xf32, #tpu.memory_space<vmem>>) attributes {dimension_semantics = [#tpu.dimension_semantics<arbitrary>], iteration_bounds = array<i64: 5>, scalar_prefetch = 0 : i64, scratch_operands = 0 : i64, tpu.core_type = #tpu.core_type<tc>, window_params = [{transform_indices = @transform_0, window_bounds = array<i64: 2000, 16>}, {transform_indices = @transform_1, window_bounds = array<i64: 1, 2000, 16>}, {transform_indices = @transform_2, window_bounds = array<i64: 1, 2000, 16>}, {transform_indices = @transform_3, window_bounds = array<i64: 2000, 16>}, {pipeline_mode = #tpu.pipeline_mode<synchronous>, transform_indices = @transform_4, window_bounds = array<i64: 1, 16>}, {transform_indices = @transform_5, window_bounds = array<i64: 2000, 16>}]} {
    %get3A = arith.constant 0 : index
    %get3A_0 = arith.constant 0 : index
    %get3A_1 = arith.constant 0 : index
    %get3A_2 = vector.load %arg2[%get3A, %get3A_0, %get3A_1] : memref<1x2000x16xf32, #tpu.memory_space<vmem>>, vector<1x2000x16xf32>
    %get3A_3 = vector.shape_cast %get3A_2 : vector<1x2000x16xf32> to vector<2000x16xf32>
    %get3A_4 = arith.constant 0 : index
    %get3A_5 = arith.constant 0 : index
    %get3A_6 = arith.constant 0 : index
    %get3A_7 = vector.load %arg3[%get3A_4, %get3A_5, %get3A_6] : memref<1x2000x16xf32, #tpu.memory_space<vmem>>, vector<1x2000x16xf32>
    %get3A_8 = vector.shape_cast %get3A_7 : vector<1x2000x16xf32> to vector<2000x16xf32>
    %add3A = arith.addf %get3A_3, %get3A_8 : vector<2000x16xf32>
    %get3A_9 = arith.constant 0 : index
    %get3A_10 = arith.constant 0 : index
    %get3A_11 = vector.load %arg4[%get3A_9, %get3A_10] : memref<2000x16xf32, #tpu.memory_space<vmem>>, vector<2000x16xf32>
    %mul3A = arith.mulf %add3A, %get3A_11 : vector<2000x16xf32>
    %get3A_12 = arith.constant 0 : index
    %get3A_13 = arith.constant 0 : index
    %get3A_14 = vector.load %arg1[%get3A_12, %get3A_13] : memref<2000x16xf32, #tpu.memory_space<vmem>>, vector<2000x16xf32>
    %mul3A_15 = arith.constant 5.000000e-01 : f32
    %mul3A_16 = vector.broadcast %mul3A_15 : f32 to vector<2000x16xf32>
    %mul3A_17 = arith.mulf %mul3A_16, %get3A_14 : vector<2000x16xf32>
    %mul3A_18 = arith.constant 5.000000e-01 : f32
    %mul3A_19 = vector.broadcast %mul3A_18 : f32 to vector<2000x16xf32>
    %mul3A_20 = arith.mulf %mul3A_19, %mul3A : vector<2000x16xf32>
    %add3A_21 = arith.addf %mul3A_17, %mul3A_20 : vector<2000x16xf32>
    %get3A_22 = arith.constant 0 : index
    %get3A_23 = arith.constant 0 : index
    %get3A_24 = vector.load %arg5[%get3A_22, %get3A_23] : memref<1x16xf32, #tpu.memory_space<vmem>>, vector<1x16xf32>
    %add3A_25 = vector.broadcast %get3A_24 : vector<1x16xf32> to vector<2000x16xf32>
    %add3A_26 = arith.addf %add3A_21, %add3A_25 : vector<2000x16xf32>
    %swap3A = arith.constant 0 : index
    %swap3A_27 = arith.constant 0 : index
    %swap3A_28 = vector.load %arg6[%swap3A, %swap3A_27] : memref<2000x16xf32, #tpu.memory_space<vmem>>, vector<2000x16xf32>
    tpu.vector_store %arg6[%swap3A, %swap3A_27], %add3A_26 {strides = array<i32>} : memref<2000x16xf32, #tpu.memory_space<vmem>>, vector<2000x16xf32>,
    return
  }
  func.func @transform_0(%arg0: i32) -> (i32, i32) {
    %c0_i32 = arith.constant 0 : i32
    %c0_i32_0 = arith.constant 0 : i32
    return %arg0, %c0_i32 : i32, i32
  }
  func.func @transform_1(%arg0: i32) -> (i32, i32, i32) {
    %c0_i32 = arith.constant 0 : i32
    %c0_i32_0 = arith.constant 0 : i32
    %c0_i32_1 = arith.constant 0 : i32
    return %c0_i32, %arg0, %c0_i32_0 : i32, i32, i32
  }
  func.func @transform_2(%arg0: i32) -> (i32, i32, i32) {
    %c1_i32 = arith.constant 1 : i32
    %c0_i32 = arith.constant 0 : i32
    %c0_i32_0 = arith.constant 0 : i32
    return %c1_i32, %arg0, %c0_i32 : i32, i32, i32
  }
  func.func @transform_3(%arg0: i32) -> (i32, i32) {
    %c0_i32 = arith.constant 0 : i32
    %c0_i32_0 = arith.constant 0 : i32
    return %arg0, %c0_i32 : i32, i32
  }
  func.func @transform_4(%arg0: i32) -> (i32, i32) {
    %c0_i32 = arith.constant 0 : i32
    %c0_i32_0 = arith.constant 0 : i32
    %c0_i32_1 = arith.constant 0 : i32
    return %c0_i32, %c0_i32_0 : i32, i32
  }
  func.func @transform_5(%arg0: i32) -> (i32, i32) {
    %c0_i32 = arith.constant 0 : i32
    %c0_i32_0 = arith.constant 0 : i32
    return %arg0, %c0_i32 : i32, i32
  }
}

</mosaic_0001>

<sc_bundles>
// kernel: kernel.10.cloned.1.call-start
scs
__scs_entry_jumppad:
0x0: {  	(pc) =	sbr.rel $0x88, $3  }
0x1: {  	(tag) =	ssettag $0x0;
	lr =	simm.s32 $0x1  }
0x2: {  	[smem:$0x3F9B] =	sst lr;
	_ =	strace $0xD0000000  }
0x3: {  	_ = 	snop  }
0x4: {  	_ = 	snop  }
0x5: {  	_ = 	snop  }
0x6: {  	_ = 	snop  }
0x7: {  	_ = 	snop  }
__scs_overlays_trampoline_lowered:
0x8: {  	[smem:$0x3FAA] =	sst s0  }
0x9: {  	[smem:$0x3FAB] =	sst s1  }
0xa: {  	[smem:$0x3FAC] =	sst s2  }
0xb: {  	[smem:$0x3FAD] =	sst s3  }
0xc: {  	[smem:$0x3FAE] =	sst s4  }
0xd: {  	[smem:$0x3FAF] =	sst s5  }
0xe: {  	[smem:$0x3FB0] =	sst s6  }
0xf: {  	[smem:$0x3FB1] =	sst s7  }
0x10: {  	[smem:$0x3FB2] =	sst s8  }
0x11: {  	[smem:$0x3FB3] =	sst s9;
	s0 =	simm.s32 @!p0 $0x0  }
0x12: {  	s1 =	sld [smem:$0x3F99];
	s0 =	simm.s32 @p0 $0x1  }
0x13: {  	[smem:$0x3FB4] =	sst s0;
	s0 =	simm.s32 @!p1 $0x0  }
0x14: {  	s2 =	sld [smem:$0x3F98];
	s0 =	simm.s32 @p1 $0x1  }
0x15: {  	[smem:$0x3FB5] =	sst s0;
	s0 =	simm.s32 @!p2 $0x0  }
0x16: {  	s3 =	sld [smem:$0x3FDB];
	s0 =	simm.s32 @p2 $0x1  }
0x17: {  	s4 =	simm.s32 $0x1BF5;
	[smem:$0x3FB7] =	sst s0  }
0x18: {  	s0 =	sld [smem:$0x3F9A];
	_ =	swait.ge [sflag:s4], $0x0  }
0x19: {  	s7 =	sld [smem:$0x3F9B]  }
0x1a: {  	s8 =	sadd.s32 $0xFFFFE003, lr  }
0x1b: {  	s9 =	sadd.s32 $0xFFFFFEF7, lr;
	s5 =	simm.s32 $0xFFFFFFFF;
	p2 =	slt.u32 s8, $0xFFFFF086  }
0x1c: {  	p1 =	slt.u32 s9, $0xF7A;
	s5 =	simm.s32 @!p2 $0x0  }
0x1d: {  	s5 =	simm.s32 @p1 $0x1;
	p0 =	seq.s32 s7, s2  }
0x1e: {  	s7 =	smul.u32 @!p0 $0xF7A, s2;
	p2 =	seq.s32 @!p0 s5, $0x0  }
0x1f: {  	s9 =	smul.u32 $0xF7A, s1;
	s8 =	simm.s32 @!p0 $0x1BF5;
	p2 =	por !p2, p0  }
0x20: {  	[sflag:s8] =	ssyncset.s32 @!p0 $0xFFFFF086;
	s6 =	sadd.s32 @!p0 s3, s7;
	s7 =	simm.s32 @!p0 $0x108  }
0x21: {  	s3 =	sadd.s32 s3, s9;
	s6 =	sadd.s32 @!p0 $0x88, s6;
	s7 =	simm.s32 @p2 $0x1082  }
0x22: {  	[simem:s7], [sflag:s8] =	dma.local @!p0 [hbm:s6], $0xF7A  }
0x23: {  	s9 =	sor.u32 $0xD0000000, s2;
	s6 =	simm.s32 $0x108;
	_ =	swait.ge @!p0 [sflag:s8], $0x0  }
0x24: {  	s3 =	sadd.s32 $0x88, s3;
	s6 =	simm.s32 @!p1 $0x1082;
	[sflag:s4] =	ssyncset.s32 $0xFFFFF086  }
0x25: {  	[simem:s6], [sflag:s4] =	dma.local [hbm:s3], $0xF7A  }
0x26: {  	[smem:$0x3F9B] =	sst s1;
	(tag) =	ssettag s2;
	_ =	strace s9  }
0x27: {  	s1 =	sld [smem:$0x3FAB]  }
0x28: {  	s2 =	sld [smem:$0x3FAC]  }
0x29: {  	s4 =	sld [smem:$0x3FAE]  }
0x2a: {  	p0 =	seq.s32 s5, $0x0;
	s5 =	sld [smem:$0x3FAF]  }
0x2b: {  	s6 =	sld [smem:$0x3FB0]  }
0x2c: {  	s7 =	sld [smem:$0x3FB1]  }
0x2d: {  	s3 =	simm.s32 $0x108;
	s8 =	sld [smem:$0x3FB2]  }
0x2e: {  	s3 =	simm.s32 @!p0 $0x1082;
	s9 =	sld [smem:$0x3FB3]  }
0x2f: {  	lr =	sadd.s32 s0, s3;
	s0 =	sld [smem:$0x3FAA]  }
0x30: {  	s3 =	sld [smem:$0x3FAD]  }
0x31: {  	[smem:$0x3FB6] =	sst s10  }
0x32: {  	s10 =	sld [smem:$0x3FB4];
	_ =	sdelay $0x3  }
0x33: {  	p0 =	seq.s32 s10, $0x1;
	s10 =	sld [smem:$0x3FB6];
	_ =	sdelay $0x3  }
0x34: {  	[smem:$0x3FB6] =	sst s10  }
0x35: {  	s10 =	sld [smem:$0x3FB5];
	_ =	sdelay $0x3  }
0x36: {  	p1 =	seq.s32 s10, $0x1;
	s10 =	sld [smem:$0x3FB6];
	_ =	sdelay $0x3  }
0x37: {  	[smem:$0x3FB6] =	sst s10  }
0x38: {  	s10 =	sld [smem:$0x3FB7]  }
0x39: {  	_ = 	snop;
	(pc) =	sbr.ind lr, $3  }
0x3a: {  	_ = 	snop  }
0x3b: {  	_ = 	snop  }
0x3c: {  	p2 =	seq.s32 s10, $0x1;
	s10 =	sld [smem:$0x3FB6]  }
0x3d: {  	_ =	shalt  }
0x3e: {  	_ =	shalt  }
0x3f: {  	_ =	shalt  }
0x40: {  	_ =	shalt  }
0x41: {  	_ =	shalt  }
0x42: {  	_ =	shalt  }
0x43: {  	_ =	shalt  }
0x44: {  	_ =	shalt  }
0x45: {  	_ =	shalt  }
0x46: {  	_ =	shalt  }
0x47: {  	_ =	shalt  }
0x48: {  	_ =	shalt  }
0x49: {  	_ =	shalt  }
0x4a: {  	_ =	shalt  }
0x4b: {  	_ =	shalt  }
0x4c: {  	_ =	shalt  }
0x4d: {  	_ =	shalt  }
0x4e: {  	_ =	shalt  }
0x4f: {  	_ =	shalt  }
0x50: {  	_ =	shalt  }
0x51: {  	_ =	shalt  }
0x52: {  	_ =	shalt  }
0x53: {  	_ =	shalt  }
0x54: {  	_ =	shalt  }
0x55: {  	_ =	shalt  }
0x56: {  	_ =	shalt  }
0x57: {  	_ =	shalt  }
0x58: {  	_ =	shalt  }
0x59: {  	_ =	shalt  }
0x5a: {  	_ =	shalt  }
0x5b: {  	_ =	shalt  }
0x5c: {  	_ =	shalt  }
0x5d: {  	_ =	shalt  }
0x5e: {  	_ =	shalt  }
0x5f: {  	_ =	shalt  }
0x60: {  	_ =	shalt  }
0x61: {  	_ =	shalt  }
0x62: {  	_ =	shalt  }
0x63: {  	_ =	shalt  }
0x64: {  	_ =	shalt  }
0x65: {  	_ =	shalt  }
0x66: {  	_ =	shalt  }
0x67: {  	_ =	shalt  }
0x68: {  	_ =	shalt  }
0x69: {  	_ =	shalt  }
0x6a: {  	_ =	shalt  }
0x6b: {  	_ =	shalt  }
0x6c: {  	_ =	shalt  }
0x6d: {  	_ =	shalt  }
0x6e: {  	_ =	shalt  }
0x6f: {  	_ =	shalt  }
0x70: {  	_ =	shalt  }
0x71: {  	_ =	shalt  }
0x72: {  	_ =	shalt  }
0x73: {  	_ =	shalt  }
0x74: {  	_ =	shalt  }
0x75: {  	_ =	shalt  }
0x76: {  	_ =	shalt  }
0x77: {  	_ =	shalt  }
0x78: {  	_ =	shalt  }
0x79: {  	_ =	shalt  }
0x7a: {  	_ =	shalt  }
0x7b: {  	_ =	shalt  }
0x7c: {  	_ =	shalt  }
0x7d: {  	_ =	shalt  }
0x7e: {  	_ =	shalt  }
0x7f: {  	_ =	shalt  }
0x80: {  	_ =	shalt  }
0x81: {  	_ =	shalt  }
0x82: {  	_ =	shalt  }
0x83: {  	_ =	shalt  }
0x84: {  	_ =	shalt  }
0x85: {  	_ =	shalt  }
0x86: {  	_ =	shalt  }
0x87: {  	_ =	shalt  }
.Lfunc_end0:
.L_simem_size_0:
called_computation.1_lowered:
.L_overlay_start_0:
0x88: {  	s2 =	sld [smem:$0x3FD9]  }
0x89: {  	s3 =	sld [smem:$0x3FFE];
	_ =	sdelay $0x1  }
0x8a: {  	s1 =	srdreg.scid  }
0x8b: {  	s0 =	sand.u32 $0x1, s1  }
0x8c: {  	s16 =	sshll.u32 s0, $0xA;
	s2 =	sadd.s32 s3, s2  }
0x8d: {  	s2 =	sadd.s32 s2, s16  }
0x8e: {  	[smem:$0x3FC2] =	sst s2  }
0x8f: {  	_ = 	snop  }
0x90: {  	(tm) =	ssettm $0x1  }
0x91: {  	s17 =	sld [smem:$0x3FFB];
	_ =	sdelay $0x3  }
0x92: {  	_ =	strace s17  }
0x93: {  	s2 =	sld [smem:$0x3FFC];
	_ =	sdelay $0x3  }
0x94: {  	_ =	strace s2  }
0x95: {  	s2 =	sld [smem:$0x3FFD];
	_ =	sdelay $0x3  }
0x96: {  	_ =	strace s2  }
0x97: {  	_ =	strace $0x8FFFFFFF  }
0x98: {  	s18 =	sld [smem:$0x3FDB];
	_ =	sdelay $0x1  }
0x99: {  	s19 =	simm.s32 $_scs_section_size  }
0x9a: {  	s4 =	simm.s32 $_size__tile_overlayer_lowered;
	s5 =	simm.s32 $_tile_overlayer_lowered  }
0x9b: {  	s22 =	simm.s32 $0x1BFF;
	s21 =	sshll.u32 s5, $0x1;
	s2 =	sadd.s32 s19, s18  }
0x9c: {  	s6 =	simm.s32 $0x0;
	s20 =	sshll.u32 s4, $0x1;
	s4 =	sadd.s32 s21, s2  }
0x9d: {  	[timem:s6], [sflag:s22] =	dma.local [hbm:s4], s20  }
0x9e: {  	_ =	swait.ge [sflag:s22], s20  }
0x9f: {  	s3 =	ssub.s32 $0x0, s20;
	[sflag:s22] =	ssyncset.done $0x0  }
0xa0: {  	[sflag:s22] =	ssyncadd.s32 s3;
	_ =	sdelay $0x1  }
0xa1: {  	s23 =	simm.s32 $0x1B8B  }
0xa2: {  	_ =	swait.ge [sflag:s23], $0x1  }
0xa3: {  	[sflag:s23] =	ssyncset.done $0x0  }
0xa4: {  	s25 =	simm.s32 $0x1B8E;
	s24 =	sld [smem:$0x3FFE];
	[sflag:s23] =	ssyncadd.s32 $0xFFFFFFFF  }
0xa5: {  	s26 =	simm.s32 $execute0_lowered;
	[smem:$0x3FD2] =	sst s25  }
0xa6: {  	s4 =	sshll.u32 s26, $0x1;
	_ =	strace $0x80000049;
	[dreg:$0x1] =	wrdreg $0xFFFFFFFF  }
0xa7: {  	s28 =	simm.s32 $_size_execute0_lowered;
	s2 =	sadd.s32 s2, s4;
	[dreg:$0x0] =	wrdreg $0x0  }
0xa8: {  	s4 =	sshll.u32 s28, $0x1;
	[dreg:$0x2] =	wrdreg s2  }
0xa9: {  	[dreg:$0x3] =	wrdreg s4  }
0xaa: {  	[dreg:$0x4] =	wrdreg $0xC0  }
0xab: {  	_ =	task [dreg:s6], $0x5FFFF  }
0xac: {  	[dreg:$0x1] =	wrdreg $0xFFFFFFFF  }
0xad: {  	[dreg:$0x0] =	wrdreg $0x60  }
0xae: {  	[dreg:$0x2] =	wrdreg s24  }
0xaf: {  	[dreg:$0x3] =	wrdreg $0x68000  }
0xb0: {  	[dreg:$0x4] =	wrdreg $0x9  }
0xb1: {  	_ =	task.clear_ibuf [dreg:s6], $0x5FFFF;
	_ =	strace $0x90000049  }
0xb2: {  	s29 =	simm.s32 $0x9;
	_ =	strace $0x8000004B  }
0xb3: {  	_ =	swait.ge [sflag:s29], $0x1  }
0xb4: {  	[sflag:s29] =	ssyncadd.s32 $0xFFFFFFFF  }
0xb5: {  	_ =	strace $0x9000004B  }
0xb6: {  	_ =	sfence  }
0xb7: {  	s30 =	sld [smem:$0x0];
	_ =	sdelay $0x2  }
0xb8: {  	s31 =	sshll.u32 s1, $0xD;
	s1 =	sshrl.u32 s1, $0x2  }
0xb9: {  	s3 =	sand.u32 $0x4000, s31;
	s1 =	sadd.s32 s1, s30  }
0xba: {  	s0 =	sor.u32 s3, s0;
	s1 =	sshll.u32 s1, $0x11  }
0xbb: {  	s0 =	sor.u32 s1, s0  }
0xbc: {  	s0 =	sadd.s32 $0x8F2B, s0  }
0xbd: {  	[sflag:s0] =	ssyncadd.remote.s32 $0x1  }
0xbe: {  	_ =	sfence.sel $0xFFFF  }
0xbf: {  	[dreg:$0x0] =	wrdreg $0xFFFFFFFF;
	(pc) =	sbr.abs _section_cstart, $3  }
0xc0: {  	[dreg:$0x1] =	wrdreg $0xFFFFFFFF  }
0xc1: {  	_ =	task.clear_ibuf [dreg:s6], $0x2FFFF;
	_ =	strace $0x9FFFFFFF  }
0xc2: {  	(tm) =	ssettm $0x7FFFFFFF  }
0xc3: {  	_ =	shalt  }
tec
execute0_lowered:
.L_overlay_start_1:
0x0: {  	(tag) =	ssettag $0x1  }
0x1: {  	s5 =	rddreg [dreg:$0x0];
	s1 =	srdreg.scid  }
0x2: {  	s0 =	stileid.u32;
	s2 =	rddreg [dreg:$0x1]  }
0x3: {  	s3 =	simm.s32 $0x0;
	s14 =	simm.s32 $0x6000;
	s15 =	simm.s32 $0x3  }
0x4: {  	s16 =	simm.s32 $0x2800;
	s17 =	simm.s32 $0x80;
	s18 =	simm.s32 $0x5000  }
0x5: {  	s19 =	simm.s32 $0x5800;
	s20 =	simm.s32 $0x1;
	s21 =	simm.s32 $0x2  }
0x6: {  	s22 =	simm.s32 $0x4F00;
	s23 =	simm.s32 $0x4F80;
	s7 =	smul.u32 $0x2800, s0  }
0x7: {  	s6 =	sand.u32 $0x1, s1;
	s1 =	rddreg [dreg:$0x2];
	s9 =	smul.u32 $0xA000, s0  }
0x8: {  	[smem:$0x7FF] =	sst s3;
	s4 =	smul.u32 $0x28000, s6;
	s6 =	ssub.s32 $0x2, s6  }
0x9: {  	_ =	strace $0x8000004A;
	s30 =	sshrl.u32 s6, $0x1;
	s31 =	sshrl.u32 s9, $0x2  }
0xa: {  	s8 =	sadd.s32 s7, s4;
	s4 =	sadd.s32 $0x1200, s5;
	s9 =	sadd.s32 s31, s2  }
0xb: {  	s13 =	ssub.s32 s6, s30;
	s8 =	sshrl.u32 s8, $0x3;
	s6 =	sadd.s32 $0x800, s9  }
0xc: {  	s13 =	smax.u32 s13, $0x1;
	s12 =	sadd.s32 s8, s5;
	s5 =	sadd.s32 s7, s2  }
0xd: {  	s7 =	sadd.s32 $0x1000, s9;
	s8 =	sadd.s32 $0x1800, s9;
	s9 =	sadd.s32 $0x2000, s9  }
0xe: {  	v0 =	vimm.f32 $0.0e+00;
	s10 =	sadd.s32 $0x15200, s12;
	s11 =	sadd.s32 $0xB200, s12;
	s12 =	sadd.s32 $0x1F200, s12  }
.LBB2_1:
0xf: {  	s24 =	simm.s32 $0x40;
	s25 =	simm.s32 $0x0  }
.LBB2_2:
0x10: {  	p0 =	sne.s32 s24, $0x1FC0;
	[tilespmem:s25+$0x6000] =	vst v0;
	s25 =	smov.u32 s24;
	s24 =	sadd.s32 $0x40, s24  }
.Ltmp0:
0x11: {  	(pc) =	sbr.rel @p0 .LBB2_2-.Ltmp0, $2  }
0x12: {  	_ =	sdelay $0x2  }
0x13: {  	s25 =	sshra.s32 s25, $0x2  }
0x14: {  	[tilespmem:s25+$0x6000] =	vst v0  }
0x15: {  	[spmem:s5] =	stream.linear.scatter [tilespmem:s14], [sflag:$0x3], $0x800, $0x38;
	[tilespmem:$0x9000] =	vst v63  }
0x16: {  	_ =	swait.ge [sflag:s15], $0x800  }
0x17: {  	[sflag:s15] =	ssyncset.done $0x0  }
0x18: {  	[sflag:s15] =	ssyncadd.s32 $0xFFFFF800  }
0x19: {  	[spmem:s6] =	stream.linear.scatter [tilespmem:s14], [sflag:$0x3], $0x800, $0x38;
	[tilespmem:$0x9000] =	vst v63  }
0x1a: {  	_ =	swait.ge [sflag:s15], $0x800  }
0x1b: {  	[sflag:s15] =	ssyncset.done $0x0  }
0x1c: {  	[sflag:s15] =	ssyncadd.s32 $0xFFFFF800  }
0x1d: {  	[spmem:s7] =	stream.linear.scatter [tilespmem:s14], [sflag:$0x3], $0x800, $0x38;
	[tilespmem:$0x9000] =	vst v63  }
0x1e: {  	_ =	swait.ge [sflag:s15], $0x800  }
0x1f: {  	[sflag:s15] =	ssyncset.done $0x0  }
0x20: {  	[sflag:s15] =	ssyncadd.s32 $0xFFFFF800  }
0x21: {  	[spmem:s8] =	stream.linear.scatter [tilespmem:s14], [sflag:$0x3], $0x800, $0x38;
	[tilespmem:$0x9000] =	vst v63  }
0x22: {  	_ =	swait.ge [sflag:s15], $0x800  }
0x23: {  	[sflag:s15] =	ssyncset.done $0x0  }
0x24: {  	[sflag:s15] =	ssyncadd.s32 $0xFFFFF800  }
0x25: {  	[spmem:s9] =	stream.linear.scatter [tilespmem:s14], [sflag:$0x3], $0x800, $0x38;
	[tilespmem:$0x9000] =	vst v63  }
0x26: {  	_ =	swait.ge [sflag:s15], $0x800  }
0x27: {  	[sflag:s15] =	ssyncset.done $0x0  }
0x28: {  	s24 =	simm.s32 $0x0;
	[sflag:s15] =	ssyncadd.s32 $0xFFFFF800  }
0x29: {  	[tilespmem:s24], [sflag:$0x3] =	stream.linear.gather [hbm4b:s10+s24], $0x2800, $0x38;
	[tilespmem:$0x9000] =	vst v63  }
0x2a: {  	_ =	swait.ge [sflag:s15], $0x2800  }
0x2b: {  	[sflag:s15] =	ssyncset.done $0x0  }
0x2c: {  	[sflag:s15] =	ssyncadd.s32 $0xFFFFD800  }
0x2d: {  	[tilespmem:s16], [sflag:$0x3] =	stream.linear.gather [hbm4b:s11+s24], $0x2800, $0x38;
	[tilespmem:$0x9000] =	vst v63  }
0x2e: {  	_ =	swait.ge [sflag:s15], $0x2800  }
0x2f: {  	[sflag:s15] =	ssyncset.done $0x0  }
0x30: {  	[sflag:s15] =	ssyncadd.s32 $0xFFFFD800  }
0x31: {  	[bflag:$0x0] =	sbarrier.arrive $0xFFFF  }
0x32: {  	[tilespmem:s18], [sflag:$0x1] =	stream.indirect.gather [hbm4b:s4+s17], $0x10, s24, s17, $0xb8;
	[tilespmem:$0x9000] =	vst v63  }
0x33: {  	_ = 	snop  }
0x34: {  	[tilespmem:s19], [sflag:$0x2] =	stream.indirect.gather [hbm4b:s4+s17], $0x10, s17, s17, $0xb8;
	[tilespmem:$0x9000] =	vst v63  }
0x35: {  	_ =	swait.ge [sflag:s20], $0x800  }
0x36: {  	[sflag:s20] =	ssyncset.done $0x0  }
0x37: {  	s29 =	simm.s32 $0x2800;
	[sflag:s20] =	ssyncadd.s32 $0xFFFFF800  }
0x38: {  	[spmem:s2] =	stream.indirect.scatter.add.f32 [tilespmem:s18], [sflag:$0x3], $0x10, s29, s17, $0xb8;
	[tilespmem:$0x9000] =	vst v63  }
0x39: {  	_ =	swait.ge [sflag:s15], $0x800  }
0x3a: {  	[sflag:s15] =	ssyncset.done $0x0  }
0x3b: {  	s30 =	simm.s32 $0x100;
	[sflag:s15] =	ssyncadd.s32 $0xFFFFF800  }
0x3c: {  	[tilespmem:s18], [sflag:$0x1] =	stream.indirect.gather [hbm4b:s4+s17], $0x10, s30, s17, $0xb8;
	[tilespmem:$0x9000] =	vst v63  }
0x3d: {  	_ =	swait.ge [sflag:s21], $0x800  }
0x3e: {  	[sflag:s21] =	ssyncset.done $0x0  }
0x3f: {  	s31 =	simm.s32 $0x2880;
	[sflag:s21] =	ssyncadd.s32 $0xFFFFF800  }
0x40: {  	[spmem:s2] =	stream.indirect.scatter.add.f32 [tilespmem:s19], [sflag:$0x3], $0x10, s31, s17, $0xb8;
	[tilespmem:$0x9000] =	vst v63  }
0x41: {  	_ =	swait.ge [sflag:s15], $0x800  }
0x42: {  	[sflag:s15] =	ssyncset.done $0x0  }
0x43: {  	s25 =	simm.s32 $0x180;
	s24 =	simm.s32 $0x400;
	[sflag:s15] =	ssyncadd.s32 $0xFFFFF800  }
.LBB2_4:
0x44: {  	[tilespmem:s19], [sflag:$0x2] =	stream.indirect.gather [hbm4b:s4+s17], $0x10, s25, s17, $0xb8;
	[tilespmem:$0x9000] =	vst v63  }
0x45: {  	s25 =	smov.u32 s24  }
0x46: {  	p0 =	sne.s32 s24, $0x9800;
	s24 =	sadd.s32 $0x400, s24;
	_ =	swait.ge [sflag:s20], $0x800  }
0x47: {  	s25 =	sshra.s32 s25, $0x2;
	[sflag:s20] =	ssyncset.done $0x0  }
0x48: {  	s26 =	sadd.s32 $0x2800, s25;
	[sflag:s20] =	ssyncadd.s32 $0xFFFFF800  }
0x49: {  	[spmem:s2] =	stream.indirect.scatter.add.f32 [tilespmem:s18], [sflag:$0x3], $0x10, s26, s17, $0xb8;
	[tilespmem:$0x9000] =	vst v63  }
0x4a: {  	_ =	swait.ge [sflag:s15], $0x800  }
0x4b: {  	[sflag:s15] =	ssyncset.done $0x0  }
0x4c: {  	s26 =	sadd.s32 $0x100, s25;
	[sflag:s15] =	ssyncadd.s32 $0xFFFFF800  }
0x4d: {  	[tilespmem:s18], [sflag:$0x1] =	stream.indirect.gather [hbm4b:s4+s17], $0x10, s26, s17, $0xb8;
	[tilespmem:$0x9000] =	vst v63  }
0x4e: {  	_ =	swait.ge [sflag:s21], $0x800  }
0x4f: {  	[sflag:s21] =	ssyncset.done $0x0  }
.Ltmp1:
0x50: {  	s26 =	sadd.s32 $0x2880, s25;
	[sflag:s21] =	ssyncadd.s32 $0xFFFFF800;
	(pc) =	sbr.rel @p0 .LBB2_4-.Ltmp1, $4  }
0x51: {  	[spmem:s2] =	stream.indirect.scatter.add.f32 [tilespmem:s19], [sflag:$0x3], $0x10, s26, s17, $0xb8;
	[tilespmem:$0x9000] =	vst v63  }
0x52: {  	_ =	swait.ge [sflag:s15], $0x800  }
0x53: {  	[sflag:s15] =	ssyncset.done $0x0  }
0x54: {  	s25 =	sadd.s32 $0x180, s25;
	[sflag:s15] =	ssyncadd.s32 $0xFFFFF800  }
0x55: {  	[tilespmem:s19], [sflag:$0x2] =	stream.indirect.gather [hbm4b:s4+s17], $0x10, s25, s17, $0xb8;
	[tilespmem:$0x9000] =	vst v63  }
0x56: {  	_ =	swait.ge [sflag:s20], $0x800  }
0x57: {  	[sflag:s20] =	ssyncset.done $0x0  }
0x58: {  	[sflag:s20] =	ssyncadd.s32 $0xFFFFF800  }
0x59: {  	[spmem:s2] =	stream.indirect.scatter.add.f32 [tilespmem:s18], [sflag:$0x3], $0x10, s22, s17, $0xb8;
	[tilespmem:$0x9000] =	vst v63  }
0x5a: {  	_ =	swait.ge [sflag:s15], $0x800  }
0x5b: {  	[sflag:s15] =	ssyncset.done $0x0  }
0x5c: {  	[sflag:s15] =	ssyncadd.s32 $0xFFFFF800  }
0x5d: {  	_ =	swait.ge [sflag:s21], $0x800  }
0x5e: {  	[sflag:s21] =	ssyncset.done $0x0  }
0x5f: {  	[sflag:s21] =	ssyncadd.s32 $0xFFFFF800  }
0x60: {  	[spmem:s2] =	stream.indirect.scatter.add.f32 [tilespmem:s19], [sflag:$0x3], $0x10, s23, s17, $0xb8;
	[tilespmem:$0x9000] =	vst v63  }
0x61: {  	_ =	swait.ge [sflag:s15], $0x800  }
0x62: {  	s24 =	sshll.u32 s0, $0x6;
	s3 =	sadd.s32 $0x1, s3;
	[sflag:s15] =	ssyncset.done $0x0  }
0x63: {  	s31 =	sshrl.u32 s5, $0x3;
	p0 =	sne.s32 s3, s13;
	[sflag:s15] =	ssyncadd.s32 $0xFFFFF800  }
.Ltmp2:
0x64: {  	s24 =	sor.u32 $0x1C03, s24;
	[bflag:$0x0] =	sbarrier.arrive $0xFFFF;
	(pc) =	sbr.rel @p0 .LBB2_1-.Ltmp2, $4  }
0x65: {  	[hbm:s12], [sflag:s24] =	dma.local [spmem:s31], $0x500  }
0x66: {  	_ =	swait.ge [sflag:s15], $0x500  }
0x67: {  	[sflag:s15] =	ssyncset.done $0x0  }
0x68: {  	[sflag:s15] =	ssyncadd.s32 $0xFFFFFB00  }
0x69: {  	_ =	sfence.sel $0x180000  }
0x6a: {  	[bflag:$0x0] =	sbarrier.arrive $0xFFFF  }
0x6b: {  	p0 =	sne.s32 s0, $0x0;
	_ =	strace $0x9000004A  }
0x6c: {  	s0 =	sadd.s32 @!p0 $0x100000, s1;
	[bflag:$0x2] =	sbarrier.arrive $0xFFFF  }
0x6d: {  	[sflag:s0] =	ssyncadd.tile.s32 @!p0 $0x1;
	_ =	shalt  }
.Lfunc_end2:
_tile_overlayer_lowered:
.L_overlay_start_2:
0x6e: {  	(tag) =	ssettag $0x2  }
0x6f: {  	s0 =	rddreg [dreg:$0x0];
	s2 =	stileid.u32  }
0x70: {  	s1 =	rddreg [dreg:$0x1];
	p0 =	sne.s32 s2, $0x0  }
0x71: {  	s3 =	rddreg [dreg:$0x2];
	[bflag:$0x3] =	sbarrier.arrive $0xFFFF;
	s2 =	simm.s32 @!p0 $0x1C03  }
0x72: {  	[timem:s3], [sflag:s2] =	dma.local @!p0 [hbm:s0], s1  }
0x73: {  	s0 =	simm.s32 @!p0 $0x3  }
0x74: {  	_ =	swait.ge @!p0 [sflag:s0], s1  }
0x75: {  	s1 =	ssub.s32 @!p0 $0x0, s1;
	[sflag:s0] =	ssyncset.done @!p0 $0x0  }
0x76: {  	[sflag:s0] =	ssyncadd.s32 @!p0 s1  }
0x77: {  	[bflag:$0x3] =	sbarrier.arrive $0xFFFF  }
0x78: {  	_ =	shalt  }

// kernel: kernel.7.cloned.1.call-start
scs
__scs_entry_jumppad:
0x0: {  	(pc) =	sbr.rel $0x88, $3  }
0x1: {  	(tag) =	ssettag $0x0;
	lr =	simm.s32 $0x1  }
0x2: {  	[smem:$0x3F9B] =	sst lr;
	_ =	strace $0xD0000000  }
0x3: {  	_ = 	snop  }
0x4: {  	_ = 	snop  }
0x5: {  	_ = 	snop  }
0x6: {  	_ = 	snop  }
0x7: {  	_ = 	snop  }
__scs_overlays_trampoline_lowered:
0x8: {  	[smem:$0x3FAA] =	sst s0  }
0x9: {  	[smem:$0x3FAB] =	sst s1  }
0xa: {  	[smem:$0x3FAC] =	sst s2  }
0xb: {  	[smem:$0x3FAD] =	sst s3  }
0xc: {  	[smem:$0x3FAE] =	sst s4  }
0xd: {  	[smem:$0x3FAF] =	sst s5  }
0xe: {  	[smem:$0x3FB0] =	sst s6  }
0xf: {  	[smem:$0x3FB1] =	sst s7  }
0x10: {  	[smem:$0x3FB2] =	sst s8  }
0x11: {  	[smem:$0x3FB3] =	sst s9;
	s0 =	simm.s32 @!p0 $0x0  }
0x12: {  	s1 =	sld [smem:$0x3F99];
	s0 =	simm.s32 @p0 $0x1  }
0x13: {  	[smem:$0x3FB4] =	sst s0;
	s0 =	simm.s32 @!p1 $0x0  }
0x14: {  	s2 =	sld [smem:$0x3F98];
	s0 =	simm.s32 @p1 $0x1  }
0x15: {  	[smem:$0x3FB5] =	sst s0;
	s0 =	simm.s32 @!p2 $0x0  }
0x16: {  	s3 =	sld [smem:$0x3FDB];
	s0 =	simm.s32 @p2 $0x1  }
0x17: {  	s4 =	simm.s32 $0x1BF5;
	[smem:$0x3FB7] =	sst s0  }
0x18: {  	s0 =	sld [smem:$0x3F9A];
	_ =	swait.ge [sflag:s4], $0x0  }
0x19: {  	s7 =	sld [smem:$0x3F9B]  }
0x1a: {  	s8 =	sadd.s32 $0xFFFFE003, lr  }
0x1b: {  	s9 =	sadd.s32 $0xFFFFFEF7, lr;
	s5 =	simm.s32 $0xFFFFFFFF;
	p2 =	slt.u32 s8, $0xFFFFF086  }
0x1c: {  	p1 =	slt.u32 s9, $0xF7A;
	s5 =	simm.s32 @!p2 $0x0  }
0x1d: {  	s5 =	simm.s32 @p1 $0x1;
	p0 =	seq.s32 s7, s2  }
0x1e: {  	s7 =	smul.u32 @!p0 $0xF7A, s2;
	p2 =	seq.s32 @!p0 s5, $0x0  }
0x1f: {  	s9 =	smul.u32 $0xF7A, s1;
	s8 =	simm.s32 @!p0 $0x1BF5;
	p2 =	por !p2, p0  }
0x20: {  	[sflag:s8] =	ssyncset.s32 @!p0 $0xFFFFF086;
	s6 =	sadd.s32 @!p0 s3, s7;
	s7 =	simm.s32 @!p0 $0x108  }
0x21: {  	s3 =	sadd.s32 s3, s9;
	s6 =	sadd.s32 @!p0 $0x88, s6;
	s7 =	simm.s32 @p2 $0x1082  }
0x22: {  	[simem:s7], [sflag:s8] =	dma.local @!p0 [hbm:s6], $0xF7A  }
0x23: {  	s9 =	sor.u32 $0xD0000000, s2;
	s6 =	simm.s32 $0x108;
	_ =	swait.ge @!p0 [sflag:s8], $0x0  }
0x24: {  	s3 =	sadd.s32 $0x88, s3;
	s6 =	simm.s32 @!p1 $0x1082;
	[sflag:s4] =	ssyncset.s32 $0xFFFFF086  }
0x25: {  	[simem:s6], [sflag:s4] =	dma.local [hbm:s3], $0xF7A  }
0x26: {  	[smem:$0x3F9B] =	sst s1;
	(tag) =	ssettag s2;
	_ =	strace s9  }
0x27: {  	s1 =	sld [smem:$0x3FAB]  }
0x28: {  	s2 =	sld [smem:$0x3FAC]  }
0x29: {  	s4 =	sld [smem:$0x3FAE]  }
0x2a: {  	p0 =	seq.s32 s5, $0x0;
	s5 =	sld [smem:$0x3FAF]  }
0x2b: {  	s6 =	sld [smem:$0x3FB0]  }
0x2c: {  	s7 =	sld [smem:$0x3FB1]  }
0x2d: {  	s3 =	simm.s32 $0x108;
	s8 =	sld [smem:$0x3FB2]  }
0x2e: {  	s3 =	simm.s32 @!p0 $0x1082;
	s9 =	sld [smem:$0x3FB3]  }
0x2f: {  	lr =	sadd.s32 s0, s3;
	s0 =	sld [smem:$0x3FAA]  }
0x30: {  	s3 =	sld [smem:$0x3FAD]  }
0x31: {  	[smem:$0x3FB6] =	sst s10  }
0x32: {  	s10 =	sld [smem:$0x3FB4];
	_ =	sdelay $0x3  }
0x33: {  	p0 =	seq.s32 s10, $0x1;
	s10 =	sld [smem:$0x3FB6];
	_ =	sdelay $0x3  }
0x34: {  	[smem:$0x3FB6] =	sst s10  }
0x35: {  	s10 =	sld [smem:$0x3FB5];
	_ =	sdelay $0x3  }
0x36: {  	p1 =	seq.s32 s10, $0x1;
	s10 =	sld [smem:$0x3FB6];
	_ =	sdelay $0x3  }
0x37: {  	[smem:$0x3FB6] =	sst s10  }
0x38: {  	s10 =	sld [smem:$0x3FB7]  }
0x39: {  	_ = 	snop;
	(pc) =	sbr.ind lr, $3  }
0x3a: {  	_ = 	snop  }
0x3b: {  	_ = 	snop  }
0x3c: {  	p2 =	seq.s32 s10, $0x1;
	s10 =	sld [smem:$0x3FB6]  }
0x3d: {  	_ =	shalt  }
0x3e: {  	_ =	shalt  }
0x3f: {  	_ =	shalt  }
0x40: {  	_ =	shalt  }
0x41: {  	_ =	shalt  }
0x42: {  	_ =	shalt  }
0x43: {  	_ =	shalt  }
0x44: {  	_ =	shalt  }
0x45: {  	_ =	shalt  }
0x46: {  	_ =	shalt  }
0x47: {  	_ =	shalt  }
0x48: {  	_ =	shalt  }
0x49: {  	_ =	shalt  }
0x4a: {  	_ =	shalt  }
0x4b: {  	_ =	shalt  }
0x4c: {  	_ =	shalt  }
0x4d: {  	_ =	shalt  }
0x4e: {  	_ =	shalt  }
0x4f: {  	_ =	shalt  }
0x50: {  	_ =	shalt  }
0x51: {  	_ =	shalt  }
0x52: {  	_ =	shalt  }
0x53: {  	_ =	shalt  }
0x54: {  	_ =	shalt  }
0x55: {  	_ =	shalt  }
0x56: {  	_ =	shalt  }
0x57: {  	_ =	shalt  }
0x58: {  	_ =	shalt  }
0x59: {  	_ =	shalt  }
0x5a: {  	_ =	shalt  }
0x5b: {  	_ =	shalt  }
0x5c: {  	_ =	shalt  }
0x5d: {  	_ =	shalt  }
0x5e: {  	_ =	shalt  }
0x5f: {  	_ =	shalt  }
0x60: {  	_ =	shalt  }
0x61: {  	_ =	shalt  }
0x62: {  	_ =	shalt  }
0x63: {  	_ =	shalt  }
0x64: {  	_ =	shalt  }
0x65: {  	_ =	shalt  }
0x66: {  	_ =	shalt  }
0x67: {  	_ =	shalt  }
0x68: {  	_ =	shalt  }
0x69: {  	_ =	shalt  }
0x6a: {  	_ =	shalt  }
0x6b: {  	_ =	shalt  }
0x6c: {  	_ =	shalt  }
0x6d: {  	_ =	shalt  }
0x6e: {  	_ =	shalt  }
0x6f: {  	_ =	shalt  }
0x70: {  	_ =	shalt  }
0x71: {  	_ =	shalt  }
0x72: {  	_ =	shalt  }
0x73: {  	_ =	shalt  }
0x74: {  	_ =	shalt  }
0x75: {  	_ =	shalt  }
0x76: {  	_ =	shalt  }
0x77: {  	_ =	shalt  }
0x78: {  	_ =	shalt  }
0x79: {  	_ =	shalt  }
0x7a: {  	_ =	shalt  }
0x7b: {  	_ =	shalt  }
0x7c: {  	_ =	shalt  }
0x7d: {  	_ =	shalt  }
0x7e: {  	_ =	shalt  }
0x7f: {  	_ =	shalt  }
0x80: {  	_ =	shalt  }
0x81: {  	_ =	shalt  }
0x82: {  	_ =	shalt  }
0x83: {  	_ =	shalt  }
0x84: {  	_ =	shalt  }
0x85: {  	_ =	shalt  }
0x86: {  	_ =	shalt  }
0x87: {  	_ =	shalt  }
.Lfunc_end0:
.L_simem_size_0:
called_computation_lowered:
.L_overlay_start_0:
0x88: {  	s2 =	sld [smem:$0x3FD9]  }
0x89: {  	s3 =	sld [smem:$0x3FFE];
	_ =	sdelay $0x1  }
0x8a: {  	s1 =	srdreg.scid  }
0x8b: {  	s0 =	sand.u32 $0x1, s1  }
0x8c: {  	s17 =	sshll.u32 s0, $0xA;
	s2 =	sadd.s32 s3, s2  }
0x8d: {  	s2 =	sadd.s32 s2, s17  }
0x8e: {  	[smem:$0x3FC2] =	sst s2  }
0x8f: {  	_ = 	snop  }
0x90: {  	s2 =	sld [smem:$0x3FD0];
	(tm) =	ssettm $0x1  }
0x91: {  	s18 =	sld [smem:$0x3FFB];
	_ =	sdelay $0x3  }
0x92: {  	_ =	strace s18  }
0x93: {  	s3 =	sld [smem:$0x3FFC];
	_ =	sdelay $0x3  }
0x94: {  	_ =	strace s3  }
0x95: {  	s3 =	sld [smem:$0x3FFD];
	_ =	sdelay $0x3  }
0x96: {  	_ =	strace s3  }
0x97: {  	_ =	strace $0x8FFFFFFF  }
0x98: {  	s19 =	sld [smem:$0x3FDB];
	_ =	sdelay $0x1  }
0x99: {  	s4 =	simm.s32 $_scs_section_size  }
0x9a: {  	s5 =	simm.s32 $_size__tile_overlayer_lowered;
	s6 =	simm.s32 $_tile_overlayer_lowered  }
0x9b: {  	s22 =	simm.s32 $0x1BFF;
	s21 =	sshll.u32 s6, $0x1;
	s3 =	sadd.s32 s4, s19  }
0x9c: {  	s7 =	simm.s32 $0x0;
	s20 =	sshll.u32 s5, $0x1;
	s5 =	sadd.s32 s21, s3  }
0x9d: {  	[timem:s7], [sflag:s22] =	dma.local [hbm:s5], s20  }
0x9e: {  	_ =	swait.ge [sflag:s22], s20  }
0x9f: {  	s4 =	ssub.s32 $0x0, s20;
	[sflag:s22] =	ssyncset.done $0x0  }
0xa0: {  	[sflag:s22] =	ssyncadd.s32 s4;
	_ =	sdelay $0x1  }
0xa1: {  	s23 =	simm.s32 $0x1B8B  }
0xa2: {  	_ =	swait.ge [sflag:s23], $0x1  }
0xa3: {  	[sflag:s23] =	ssyncset.done $0x0  }
0xa4: {  	s25 =	simm.s32 $0x1B8E;
	s24 =	sld [smem:$0x3FFE];
	[sflag:s23] =	ssyncadd.s32 $0xFFFFFFFF  }
0xa5: {  	s26 =	simm.s32 $execute0_lowered;
	[smem:$0x3FD2] =	sst s25  }
0xa6: {  	s5 =	sshll.u32 s26, $0x1;
	_ =	strace $0x80000046;
	[dreg:$0x1] =	wrdreg $0xFFFFFFFF  }
0xa7: {  	s28 =	simm.s32 $_size_execute0_lowered;
	s3 =	sadd.s32 s3, s5;
	[dreg:$0x0] =	wrdreg $0x0  }
0xa8: {  	s5 =	sshll.u32 s28, $0x1;
	[dreg:$0x2] =	wrdreg s3  }
0xa9: {  	[dreg:$0x3] =	wrdreg s5  }
0xaa: {  	[dreg:$0x4] =	wrdreg $0xC0  }
0xab: {  	_ =	task [dreg:s7], $0x5FFFF  }
0xac: {  	[dreg:$0x1] =	wrdreg $0xFFFFFFFF  }
0xad: {  	[dreg:$0x0] =	wrdreg $0x60  }
0xae: {  	[dreg:$0x2] =	wrdreg s24  }
0xaf: {  	[dreg:$0x3] =	wrdreg s2  }
0xb0: {  	[dreg:$0x4] =	wrdreg $0x80000  }
0xb1: {  	[dreg:$0x5] =	wrdreg $0xD0000  }
0xb2: {  	[dreg:$0x6] =	wrdreg $0x9  }
0xb3: {  	_ =	task.clear_ibuf [dreg:s7], $0x7FFFF;
	_ =	strace $0x90000046  }
0xb4: {  	s29 =	simm.s32 $0x9;
	_ =	strace $0x80000048  }
0xb5: {  	_ =	swait.ge [sflag:s29], $0x1  }
0xb6: {  	[sflag:s29] =	ssyncadd.s32 $0xFFFFFFFF  }
0xb7: {  	_ =	strace $0x90000048  }
0xb8: {  	_ =	sfence  }
0xb9: {  	s30 =	sld [smem:$0x0];
	_ =	sdelay $0x2  }
0xba: {  	s31 =	sshll.u32 s1, $0xD;
	s1 =	sshrl.u32 s1, $0x2  }
0xbb: {  	s3 =	sand.u32 $0x4000, s31;
	s1 =	sadd.s32 s1, s30  }
0xbc: {  	s0 =	sor.u32 s3, s0;
	s1 =	sshll.u32 s1, $0x11  }
0xbd: {  	s0 =	sor.u32 s1, s0  }
0xbe: {  	s0 =	sadd.s32 $0x8F2B, s0  }
0xbf: {  	[sflag:s0] =	ssyncadd.remote.s32 $0x1  }
0xc0: {  	_ =	sfence.sel $0xFFFF  }
0xc1: {  	[dreg:$0x0] =	wrdreg $0xFFFFFFFF;
	(pc) =	sbr.abs _section_cstart, $3  }
0xc2: {  	[dreg:$0x1] =	wrdreg $0xFFFFFFFF  }
0xc3: {  	_ =	task.clear_ibuf [dreg:s7], $0x2FFFF;
	_ =	strace $0x9FFFFFFF  }
0xc4: {  	(tm) =	ssettm $0x7FFFFFFF  }
0xc5: {  	_ =	shalt  }
tec
execute0_lowered:
.L_overlay_start_1:
0x0: {  	(tag) =	ssettag $0x1  }
0x1: {  	s0 =	rddreg [dreg:$0x0]  }
0x2: {  	s1 =	rddreg [dreg:$0x1];
	s3 =	srdreg.scid  }
0x3: {  	s2 =	rddreg [dreg:$0x2];
	s11 =	stileid.u32  }
0x4: {  	s4 =	simm.s32 $0x0;
	s28 =	simm.s32 $0x6000;
	s8 =	smul.u32 $0x2800, s11  }
0x5: {  	s29 =	simm.s32 $0x1;
	s30 =	simm.s32 $0x2;
	s9 =	smul.u32 $0xA000, s11  }
0x6: {  	s7 =	sand.u32 $0x1, s3;
	s3 =	rddreg [dreg:$0x3];
	s16 =	smul.u32 $0x280, s11  }
0x7: {  	s31 =	simm.s32 $0x4F00;
	[smem:$0x7FF] =	sst s4;
	s6 =	smul.u32 $0x28000, s7  }
0x8: {  	s5 =	sadd.s32 $0x1200, s0;
	s10 =	smul.u32 $0xA0000, s7;
	s20 =	ssub.s32 $0x2, s7  }
0x9: {  	_ =	strace $0x80000047;
	s7 =	smul.u32 $0x2800, s7;
	s21 =	sshrl.u32 s20, $0x1  }
0xa: {  	s12 =	sadd.s32 $0x80, s16;
	s22 =	sshrl.u32 s9, $0x1;
	s13 =	sadd.s32 $0x100, s16  }
0xb: {  	s14 =	sadd.s32 $0x180, s16;
	s15 =	sadd.s32 $0x200, s16;
	s11 =	sadd.s32 s16, s3  }
0xc: {  	s6 =	sadd.s32 s8, s6;
	s18 =	sadd.s32 s9, s10;
	s20 =	ssub.s32 s20, s21  }
0xd: {  	s23 =	sshll.u32 s12, $0x5;
	s24 =	sshll.u32 s13, $0x5;
	s25 =	sshll.u32 s14, $0x5  }
0xe: {  	s26 =	sshll.u32 s15, $0x5;
	s12 =	sadd.s32 s12, s3;
	s13 =	sadd.s32 s13, s3  }
0xf: {  	s14 =	sadd.s32 s14, s3;
	s15 =	sadd.s32 s15, s3;
	s7 =	sadd.s32 s16, s7  }
0x10: {  	s21 =	simm.s32 $0x7000;
	s6 =	sshrl.u32 s6, $0x3;
	s19 =	sshrl.u32 s18, $0x4  }
0x11: {  	s8 =	sadd.s32 s23, s2;
	s9 =	sadd.s32 s25, s2;
	s10 =	sadd.s32 s26, s2  }
0x12: {  	s7 =	sshrl.u32 s7, $0x3;
	s20 =	smax.u32 s20, $0x1;
	s23 =	simm.s32 $0xD280  }
0x13: {  	s25 =	simm.s32 $0x80;
	s26 =	simm.s32 $0x5000;
	s17 =	sadd.s32 s6, s0  }
0x14: {  	s0 =	sadd.s32 s19, s0;
	s6 =	sadd.s32 s22, s2;
	[dreg:$0x5] =	wrdreg s8  }
0x15: {  	s8 =	sadd.s32 s24, s2;
	s19 =	sadd.s32 s1, s7;
	s22 =	simm.s32 $0x4  }
0x16: {  	s1 =	simm.s32 $0x4F80;
	[dreg:$0x6] =	wrdreg s8;
	s16 =	sadd.s32 $0x15200, s17  }
0x17: {  	v0 =	vimm.bf16 $0.0e+00;
	v1 =	vimm.f32 $0.0e+00;
	v2 =	vimm.f32 $1.000000000e+00;
	s17 =	sadd.s32 $0xB200, s17;
	s18 =	sadd.s32 $0x1F200, s0;
	s0 =	simm.s32 $0x3  }
.LBB2_1:
0x18: {  	s24 =	simm.s32 $0x80;
	s7 =	simm.s32 $0x0  }
.LBB2_2:
0x19: {  	p0 =	sne.s32 s24, $0x3F80;
	[tilespmem:s7+$0x7000] =	vst v0;
	s8 =	smov.u32 s24;
	s24 =	sadd.s32 $0x80, s24  }
.Ltmp0:
0x1a: {  	[tilespmem:s7+$0x7010] =	vst v0;
	(pc) =	sbr.rel @p0 .LBB2_2-.Ltmp0, $2  }
0x1b: {  	_ =	sdelay $0x2  }
0x1c: {  	s7 =	sshra.s32 s8, $0x2  }
0x1d: {  	[tilespmem:s7+$0x7000] =	vst v0  }
0x1e: {  	[tilespmem:s7+$0x7010] =	vst v0  }
0x1f: {  	[spmem:s6] =	stream.linear.scatter [tilespmem:s21], [sflag:$0x4], $0x1000, $0x38;
	[tilespmem:$0xD300] =	vst v63  }
0x20: {  	_ =	swait.ge [sflag:s22], $0x1000  }
0x21: {  	[sflag:s22] =	ssyncset.done $0x0  }
0x22: {  	s24 =	rddreg [dreg:$0x5];
	[sflag:s22] =	ssyncadd.s32 $0xFFFFF000  }
0x23: {  	[spmem:s24] =	stream.linear.scatter [tilespmem:s21], [sflag:$0x4], $0x1000, $0x38;
	[tilespmem:$0xD300] =	vst v63  }
0x24: {  	_ =	swait.ge [sflag:s22], $0x1000  }
0x25: {  	[sflag:s22] =	ssyncset.done $0x0  }
0x26: {  	s8 =	rddreg [dreg:$0x6];
	[sflag:s22] =	ssyncadd.s32 $0xFFFFF000  }
0x27: {  	[spmem:s8] =	stream.linear.scatter [tilespmem:s21], [sflag:$0x4], $0x1000, $0x38;
	[tilespmem:$0xD300] =	vst v63  }
0x28: {  	_ =	swait.ge [sflag:s22], $0x1000  }
0x29: {  	[sflag:s22] =	ssyncset.done $0x0  }
0x2a: {  	[sflag:s22] =	ssyncadd.s32 $0xFFFFF000  }
0x2b: {  	[spmem:s9] =	stream.linear.scatter [tilespmem:s21], [sflag:$0x4], $0x1000, $0x38;
	[tilespmem:$0xD300] =	vst v63  }
0x2c: {  	_ =	swait.ge [sflag:s22], $0x1000  }
0x2d: {  	[sflag:s22] =	ssyncset.done $0x0  }
0x2e: {  	[sflag:s22] =	ssyncadd.s32 $0xFFFFF000  }
0x2f: {  	[spmem:s10] =	stream.linear.scatter [tilespmem:s21], [sflag:$0x4], $0x1000, $0x38;
	[tilespmem:$0xD300] =	vst v63  }
0x30: {  	_ =	swait.ge [sflag:s22], $0x1000  }
0x31: {  	[sflag:s22] =	ssyncset.done $0x0  }
0x32: {  	[sflag:s22] =	ssyncadd.s32 $0xFFFFF000  }
0x33: {  	[tilespmem:$0xD280] =	vst v1  }
0x34: {  	[tilespmem:$0xD290] =	vst v1  }
0x35: {  	[tilespmem:$0xD2A0] =	vst v1  }
0x36: {  	[tilespmem:$0xD2B0] =	vst v1  }
0x37: {  	[tilespmem:$0xD2C0] =	vst v1  }
0x38: {  	[tilespmem:$0xD2D0] =	vst v1  }
0x39: {  	[tilespmem:$0xD2E0] =	vst v1  }
0x3a: {  	[tilespmem:$0xD2F0] =	vst v1  }
0x3b: {  	[spmem:s11] =	stream.linear.scatter [tilespmem:s23], [sflag:$0x4], $0x80, $0x38;
	[tilespmem:$0xD300] =	vst v63  }
0x3c: {  	_ =	swait.ge [sflag:s22], $0x80  }
0x3d: {  	[sflag:s22] =	ssyncset.done $0x0  }
0x3e: {  	[sflag:s22] =	ssyncadd.s32 $0xFFFFFF80  }
0x3f: {  	[spmem:s12] =	stream.linear.scatter [tilespmem:s23], [sflag:$0x4], $0x80, $0x38;
	[tilespmem:$0xD300] =	vst v63  }
0x40: {  	_ =	swait.ge [sflag:s22], $0x80  }
0x41: {  	[sflag:s22] =	ssyncset.done $0x0  }
0x42: {  	[sflag:s22] =	ssyncadd.s32 $0xFFFFFF80  }
0x43: {  	[spmem:s13] =	stream.linear.scatter [tilespmem:s23], [sflag:$0x4], $0x80, $0x38;
	[tilespmem:$0xD300] =	vst v63  }
0x44: {  	_ =	swait.ge [sflag:s22], $0x80  }
0x45: {  	[sflag:s22] =	ssyncset.done $0x0  }
0x46: {  	[sflag:s22] =	ssyncadd.s32 $0xFFFFFF80  }
0x47: {  	[spmem:s14] =	stream.linear.scatter [tilespmem:s23], [sflag:$0x4], $0x80, $0x38;
	[tilespmem:$0xD300] =	vst v63  }
0x48: {  	_ =	swait.ge [sflag:s22], $0x80  }
0x49: {  	[sflag:s22] =	ssyncset.done $0x0  }
0x4a: {  	[sflag:s22] =	ssyncadd.s32 $0xFFFFFF80  }
0x4b: {  	[spmem:s15] =	stream.linear.scatter [tilespmem:s23], [sflag:$0x4], $0x80, $0x38;
	[tilespmem:$0xD300] =	vst v63  }
0x4c: {  	_ =	swait.ge [sflag:s22], $0x80  }
0x4d: {  	[sflag:s22] =	ssyncset.done $0x0  }
0x4e: {  	[sflag:s22] =	ssyncadd.s32 $0xFFFFFF80  }
0x4f: {  	[tilespmem:$0xD280] =	vst v2  }
0x50: {  	[tilespmem:$0xD290] =	vst v2  }
0x51: {  	[tilespmem:$0xD2A0] =	vst v2  }
0x52: {  	[tilespmem:$0xD2B0] =	vst v2  }
0x53: {  	[tilespmem:$0xD2C0] =	vst v2  }
0x54: {  	[tilespmem:$0xD2D0] =	vst v2  }
0x55: {  	[tilespmem:$0xD2E0] =	vst v2  }
0x56: {  	s24 =	simm.s32 $0x0;
	[tilespmem:$0xD2F0] =	vst v2  }
0x57: {  	[tilespmem:s24], [sflag:$0x4] =	stream.linear.gather [hbm4b:s16+s24], $0x2800, $0x38;
	[tilespmem:$0xD300] =	vst v63  }
0x58: {  	_ =	swait.ge [sflag:s22], $0x2800  }
0x59: {  	[sflag:s22] =	ssyncset.done $0x0  }
0x5a: {  	s8 =	simm.s32 $0x2800;
	[sflag:s22] =	ssyncadd.s32 $0xFFFFD800  }
0x5b: {  	[tilespmem:s8], [sflag:$0x4] =	stream.linear.gather [hbm4b:s17+s24], $0x2800, $0x38;
	[tilespmem:$0xD300] =	vst v63  }
0x5c: {  	_ =	swait.ge [sflag:s22], $0x2800  }
0x5d: {  	[sflag:s22] =	ssyncset.done $0x0  }
0x5e: {  	[sflag:s22] =	ssyncadd.s32 $0xFFFFD800  }
0x5f: {  	[bflag:$0x0] =	sbarrier.arrive $0xFFFF  }
0x60: {  	[tilespmem:s26], [sflag:$0x1] =	stream.indirect.gather [hbm4b:s5+s25], $0x20, s24, s25, $0xb8;
	[tilespmem:$0xD300] =	vst v63  }
0x61: {  	_ = 	snop  }
0x62: {  	[tilespmem:s28], [sflag:$0x2] =	stream.indirect.gather [hbm4b:s5+s25], $0x20, s25, s25, $0xb8;
	[tilespmem:$0xD300] =	vst v63  }
0x63: {  	_ =	swait.ge [sflag:s29], $0x1000  }
0x64: {  	[sflag:s29] =	ssyncset.done $0x0  }
0x65: {  	s24 =	simm.s32 $0x2800;
	[sflag:s29] =	ssyncadd.s32 $0xFFFFF000  }
0x66: {  	[spmem:s2] =	stream.indirect.scatter.add.bf16 [tilespmem:s26], [sflag:$0x4], $0x20, s24, s25, $0xb8;
	[tilespmem:$0xD300] =	vst v63  }
0x67: {  	_ =	swait.ge [sflag:s22], $0x1000  }
0x68: {  	[sflag:s22] =	ssyncset.done $0x0  }
0x69: {  	[sflag:s22] =	ssyncadd.s32 $0xFFFFF000  }
0x6a: {  	[spmem:s3] =	stream.indirect.scatter.add.f32 [tilespmem:s23], [sflag:$0x3], $0x1, s24, s25, $0xb8;
	[tilespmem:$0xD300] =	vst v63  }
0x6b: {  	s8 =	simm.s32 $0x100  }
0x6c: {  	[tilespmem:s26], [sflag:$0x1] =	stream.indirect.gather [hbm4b:s5+s25], $0x20, s8, s25, $0xb8;
	[tilespmem:$0xD300] =	vst v63  }
0x6d: {  	_ =	swait.ge [sflag:s30], $0x1000  }
0x6e: {  	[sflag:s30] =	ssyncset.done $0x0  }
0x6f: {  	s24 =	simm.s32 $0x2880;
	[sflag:s30] =	ssyncadd.s32 $0xFFFFF000  }
0x70: {  	[spmem:s2] =	stream.indirect.scatter.add.bf16 [tilespmem:s28], [sflag:$0x4], $0x20, s24, s25, $0xb8;
	[tilespmem:$0xD300] =	vst v63  }
0x71: {  	_ =	swait.ge [sflag:s22], $0x1000  }
0x72: {  	[sflag:s22] =	ssyncset.done $0x0  }
0x73: {  	[sflag:s22] =	ssyncadd.s32 $0xFFFFF000  }
0x74: {  	[spmem:s3] =	stream.indirect.scatter.add.f32 [tilespmem:s23], [sflag:$0x3], $0x1, s24, s25, $0xb8;
	[tilespmem:$0xD300] =	vst v63  }
0x75: {  	s7 =	simm.s32 $0x180;
	s24 =	simm.s32 $0x400  }
.LBB2_4:
0x76: {  	[tilespmem:s28], [sflag:$0x2] =	stream.indirect.gather [hbm4b:s5+s25], $0x20, s7, s25, $0xb8;
	[tilespmem:$0xD300] =	vst v63  }
0x77: {  	s7 =	smov.u32 s24  }
0x78: {  	p0 =	sne.s32 s24, $0x9800;
	s24 =	sadd.s32 $0x400, s24;
	_ =	swait.ge [sflag:s29], $0x1000  }
0x79: {  	s7 =	sshra.s32 s7, $0x2;
	[sflag:s29] =	ssyncset.done $0x0  }
0x7a: {  	s8 =	sadd.s32 $0x2800, s7;
	[sflag:s29] =	ssyncadd.s32 $0xFFFFF000  }
0x7b: {  	[spmem:s2] =	stream.indirect.scatter.add.bf16 [tilespmem:s26], [sflag:$0x4], $0x20, s8, s25, $0xb8;
	[tilespmem:$0xD300] =	vst v63  }
0x7c: {  	_ =	swait.ge [sflag:s22], $0x1000  }
0x7d: {  	[sflag:s22] =	ssyncset.done $0x0  }
0x7e: {  	[sflag:s22] =	ssyncadd.s32 $0xFFFFF000  }
0x7f: {  	[spmem:s3] =	stream.indirect.scatter.add.f32 [tilespmem:s23], [sflag:$0x3], $0x1, s8, s25, $0xb8;
	[tilespmem:$0xD300] =	vst v63  }
0x80: {  	s8 =	sadd.s32 $0x100, s7  }
0x81: {  	[tilespmem:s26], [sflag:$0x1] =	stream.indirect.gather [hbm4b:s5+s25], $0x20, s8, s25, $0xb8;
	[tilespmem:$0xD300] =	vst v63  }
0x82: {  	_ =	swait.ge [sflag:s30], $0x1000  }
0x83: {  	[sflag:s30] =	ssyncset.done $0x0  }
0x84: {  	s8 =	sadd.s32 $0x2880, s7;
	[sflag:s30] =	ssyncadd.s32 $0xFFFFF000  }
0x85: {  	[spmem:s2] =	stream.indirect.scatter.add.bf16 [tilespmem:s28], [sflag:$0x4], $0x20, s8, s25, $0xb8;
	[tilespmem:$0xD300] =	vst v63  }
.Ltmp1:
0x86: {  	_ =	swait.ge [sflag:s22], $0x1000;
	(pc) =	sbr.rel @p0 .LBB2_4-.Ltmp1, $4  }
0x87: {  	[sflag:s22] =	ssyncset.done $0x0  }
0x88: {  	[sflag:s22] =	ssyncadd.s32 $0xFFFFF000  }
0x89: {  	[spmem:s3] =	stream.indirect.scatter.add.f32 [tilespmem:s23], [sflag:$0x3], $0x1, s8, s25, $0xb8;
	[tilespmem:$0xD300] =	vst v63  }
0x8a: {  	s7 =	sadd.s32 $0x180, s7  }
0x8b: {  	[tilespmem:s28], [sflag:$0x2] =	stream.indirect.gather [hbm4b:s5+s25], $0x20, s7, s25, $0xb8;
	[tilespmem:$0xD300] =	vst v63  }
0x8c: {  	_ =	swait.ge [sflag:s29], $0x1000  }
0x8d: {  	[sflag:s29] =	ssyncset.done $0x0  }
0x8e: {  	[sflag:s29] =	ssyncadd.s32 $0xFFFFF000  }
0x8f: {  	[spmem:s2] =	stream.indirect.scatter.add.bf16 [tilespmem:s26], [sflag:$0x4], $0x20, s31, s25, $0xb8;
	[tilespmem:$0xD300] =	vst v63  }
0x90: {  	_ =	swait.ge [sflag:s22], $0x1000  }
0x91: {  	[sflag:s22] =	ssyncset.done $0x0  }
0x92: {  	[sflag:s22] =	ssyncadd.s32 $0xFFFFF000  }
0x93: {  	[spmem:s3] =	stream.indirect.scatter.add.f32 [tilespmem:s23], [sflag:$0x3], $0x1, s31, s25, $0xb8;
	[tilespmem:$0xD300] =	vst v63  }
0x94: {  	_ =	swait.ge [sflag:s30], $0x1000  }
0x95: {  	[sflag:s30] =	ssyncset.done $0x0  }
0x96: {  	[sflag:s30] =	ssyncadd.s32 $0xFFFFF000  }
0x97: {  	[spmem:s2] =	stream.indirect.scatter.add.bf16 [tilespmem:s28], [sflag:$0x4], $0x20, s1, s25, $0xb8;
	[tilespmem:$0xD300] =	vst v63  }
0x98: {  	_ =	swait.ge [sflag:s22], $0x1000  }
0x99: {  	[sflag:s22] =	ssyncset.done $0x0  }
0x9a: {  	[sflag:s22] =	ssyncadd.s32 $0xFFFFF000  }
0x9b: {  	[spmem:s3] =	stream.indirect.scatter.add.f32 [tilespmem:s23], [sflag:$0x3], $0x1, s1, s25, $0xb8;
	[tilespmem:$0xD300] =	vst v63  }
0x9c: {  	_ =	swait.ge [sflag:s0], $0x80  }
0x9d: {  	s24 =	simm.s32 $0x4F;
	[sflag:s0] =	ssyncset.done $0x0  }
.LBB2_6:
0x9e: {  	p0 =	sne.s32 s24, $0x1;
	s24 =	sadd.s32 $0xFFFFFFFF, s24;
	[sflag:s0] =	ssyncadd.s32 $0xFFFFFF80  }
.Ltmp2:
0x9f: {  	(pc) =	sbr.rel @p0 .LBB2_6-.Ltmp2, $3  }
0xa0: {  	_ =	sdelay $0x1  }
0xa1: {  	_ =	swait.ge [sflag:s0], $0x80  }
0xa2: {  	[sflag:s0] =	ssyncset.done $0x0  }
0xa3: {  	s7 =	stileid.u32  }
0xa4: {  	[sflag:s0] =	ssyncadd.s32 $0xFFFFFF80;
	s7 =	sshll.u32 s7, $0x6  }
0xa5: {  	s8 =	sshrl.u32 s6, $0x3;
	[bflag:$0x0] =	sbarrier.arrive $0xFFFF;
	s7 =	sor.u32 $0x1C04, s7  }
0xa6: {  	[hbm:s18], [sflag:s7] =	dma.local [spmem:s8], $0xA00  }
0xa7: {  	s4 =	sadd.s32 $0x1, s4;
	_ =	swait.ge [sflag:s22], $0xA00  }
0xa8: {  	p0 =	sne.s32 s4, s20;
	[sflag:s22] =	ssyncset.done $0x0  }
.Ltmp3:
0xa9: {  	s24 =	sshrl.u32 s11, $0x3;
	[sflag:s22] =	ssyncadd.s32 $0xFFFFF600;
	(pc) =	sbr.rel @p0 .LBB2_1-.Ltmp3, $4  }
0xaa: {  	[hbm:s19], [sflag:s7] =	dma.local [spmem:s24], $0x50  }
0xab: {  	_ =	swait.ge [sflag:s22], $0x50  }
0xac: {  	[sflag:s22] =	ssyncset.done $0x0  }
0xad: {  	[sflag:s22] =	ssyncadd.s32 $0xFFFFFFB0  }
0xae: {  	_ =	sfence.sel $0x180000  }
0xaf: {  	[bflag:$0x0] =	sbarrier.arrive $0xFFFF  }
0xb0: {  	_ =	strace $0x90000047  }
0xb1: {  	s0 =	stileid.u32;
	[bflag:$0x2] =	sbarrier.arrive $0xFFFF  }
0xb2: {  	p0 =	sne.s32 s0, $0x0;
	s0 =	rddreg [dreg:$0x4]  }
0xb3: {  	s0 =	sadd.s32 @!p0 $0x100000, s0  }
0xb4: {  	[sflag:s0] =	ssyncadd.tile.s32 @!p0 $0x1;
	_ =	shalt  }
.Lfunc_end2:
_tile_overlayer_lowered:
.L_overlay_start_2:
0xb5: {  	(tag) =	ssettag $0x2  }
0xb6: {  	s0 =	rddreg [dreg:$0x0];
	s2 =	stileid.u32  }
0xb7: {  	s1 =	rddreg [dreg:$0x1];
	p0 =	sne.s32 s2, $0x0  }
0xb8: {  	s3 =	rddreg [dreg:$0x2];
	[bflag:$0x3] =	sbarrier.arrive $0xFFFF;
	s2 =	simm.s32 @!p0 $0x1C04  }
0xb9: {  	[timem:s3], [sflag:s2] =	dma.local @!p0 [hbm:s0], s1  }
0xba: {  	s0 =	simm.s32 @!p0 $0x4  }
0xbb: {  	_ =	swait.ge @!p0 [sflag:s0], s1  }
0xbc: {  	s1 =	ssub.s32 @!p0 $0x0, s1;
	[sflag:s0] =	ssyncset.done @!p0 $0x0  }
0xbd: {  	[sflag:s0] =	ssyncadd.s32 @!p0 s1  }
0xbe: {  	[bflag:$0x3] =	sbarrier.arrive $0xFFFF  }
0xbf: {  	_ =	shalt  }

</sc_bundles>
